<compile_context>
chip_gen: v7x
topology: tpu7x:2x2x1
jax: 0.10.2.dev20260603
libtpu: 0.0.44.dev20260713+nightly
codegen_flags: <defaults>
</compile_context>

<pallas_src>
import functools

import numpy as np
import jax
import jax.numpy as jnp
from jax import lax
from jax.experimental import pallas as pl
from jax.experimental.pallas import tpu as pltpu
from jax.experimental.pallas import tpu_sc as plsc

_RES = 32
_K = 16
_BOX = 5
_NC = 125
_SUB = 128
_BA = 512
_BC = 512
_MP = 50176
_GG = 7
_F32 = jnp.float32


def _bf(x):
    return x.astype(jnp.bfloat16).astype(_F32)



def _sel_body(pvt_ref, io_ref, jo_ref, ko_ref, vm_ref, nbt_ref):
    qx = pvt_ref[0:1, :] * 16.0
    qy = pvt_ref[1:2, :] * 16.0
    qz = pvt_ref[2:3, :] * 16.0
    qsq = (qx * qx + qy * qy) + qz * qz

    def per_axis(qa, off_ref):
        ua = qa + 15.5
        base = jnp.clip(jnp.floor(ua).astype(jnp.int32) - 2, 0, _RES - _BOX)
        cand = base + off_ref[...]
        c = cand.astype(_F32) - 15.5
        p = qa.astype(jnp.bfloat16).astype(_F32) * c
        return cand, c, p

    cand_x, cx, px = per_axis(qx, io_ref)
    cand_y, cy, py = per_axis(qy, jo_ref)
    cand_z, cz, pz = per_axis(qz, ko_ref)

    qb = (px + py) + pz
    bsq = (cx * cx + cy * cy) + cz * cz
    d = (qsq - 2.0 * qb) + bsq + vm_ref[...]
    linidx = (cand_x << 10) + (cand_y << 5) + cand_z

    subs = lax.broadcasted_iota(jnp.int32, d.shape, 0)
    for t in range(_K):
        m = jnp.min(d, axis=0, keepdims=True)
        eq = d == m
        sub_sel = jnp.min(jnp.where(eq, subs, 10**6), axis=0, keepdims=True)
        selm = subs == sub_sel
        nbt_ref[t:t + 1, :] = jnp.sum(jnp.where(selm, linidx, 0), axis=0,
                                      keepdims=True)
        d = jnp.where(selm, jnp.inf, d)


def _run_stage_a(pvt):
    offs = np.arange(_SUB)
    io = np.where(offs < _NC, offs // 25, 0).astype(np.int32).reshape(_SUB, 1)
    jo = np.where(offs < _NC, (offs // 5) % 5, 0).astype(np.int32).reshape(_SUB, 1)
    ko = np.where(offs < _NC, offs % 5, 0).astype(np.int32).reshape(_SUB, 1)
    vm = np.where(offs < _NC, 0.0, np.inf).astype(np.float32).reshape(_SUB, 1)
    nblk = pvt.shape[1] // _BA
    return pl.pallas_call(
        _sel_body,
        grid=(nblk,),
        in_specs=[
            pl.BlockSpec((3, _BA), lambda b: (0, b)),
            pl.BlockSpec((_SUB, 1), lambda b: (0, 0)),
            pl.BlockSpec((_SUB, 1), lambda b: (0, 0)),
            pl.BlockSpec((_SUB, 1), lambda b: (0, 0)),
            pl.BlockSpec((_SUB, 1), lambda b: (0, 0)),
        ],
        out_specs=pl.BlockSpec((_K, _BA), lambda b: (0, b)),
        out_shape=jax.ShapeDtypeStruct((_K, pvt.shape[1]), jnp.int32),
    )(pvt, jnp.asarray(io), jnp.asarray(jo), jnp.asarray(ko), jnp.asarray(vm))



def _run_sc_gather(grid_feats, idx2d):
    info = plsc.get_sparse_core_info()
    nw = info.num_cores * info.num_subcores
    nrows_idx = idx2d.shape[0]
    per_w = nrows_idx // nw
    total = nrows_idx * 128
    mesh = plsc.VectorSubcoreMesh(core_axis_name="c", subcore_axis_name="s")

    @functools.partial(
        pl.kernel,
        mesh=mesh,
        out_type=jax.ShapeDtypeStruct((total, 16), _F32),
        compiler_params=pltpu.CompilerParams(use_tc_tiling_on_sc=False),
        scratch_types=[
            pltpu.VMEM((_GG, 128), jnp.int32),
            pltpu.VMEM((_GG * 128, 16), _F32),
            pltpu.SemaphoreType.DMA,
        ],
    )
    def gather_k(table_hbm, idx_hbm, out_hbm, idx_v, rows_v, sem):
        wid = lax.axis_index("s") * info.num_cores + lax.axis_index("c")

        def body(r, carry):
            row = (wid * (per_w // _GG) + r) * _GG
            pltpu.sync_copy(idx_hbm.at[pl.ds(row, _GG)], idx_v)
            cps = [pltpu.async_copy(table_hbm.at[idx_v.at[j]],
                                    rows_v.at[pl.ds(j * 128, 128)], sem)
                   for j in range(_GG)]
            for cp in cps:
                cp.wait()
            pltpu.sync_copy(rows_v, out_hbm.at[pl.ds(row * 128, _GG * 128)])
            return carry

        lax.fori_loop(0, per_w // _GG, body, 0)

    return gather_k(grid_feats, idx2d)



def _fwd_body(g2_ref, nb_ref, pv_ref, pf_ref, wg_ref, wrx_ref, wry_ref,
              wrz_ref, wc_ref, b1t_ref, w2_ref, b2_ref, w3_ref,
              b3_ref, w4_ref, b4_ref, o_ref):
    qx = pv_ref[:, 0:1] * 16.0
    qy = pv_ref[:, 1:2] * 16.0
    qz = pv_ref[:, 2:3] * 16.0
    nb = nb_ref[...]
    gxc = (nb >> 10).astype(_F32) - 15.5
    gyc = ((nb >> 5) & 31).astype(_F32) - 15.5
    gzc = (nb & 31).astype(_F32) - 15.5

    dot = functools.partial(jnp.dot, preferred_element_type=_F32)
    pre = (dot(_bf(g2_ref[...]), _bf(wg_ref[...]))
           + dot(_bf(gxc - qx), _bf(wrx_ref[...]))
           + dot(_bf(gyc - qy), _bf(wry_ref[...]))
           + dot(_bf(gzc - qz), _bf(wrz_ref[...]))
           + dot(_bf(pf_ref[...]), _bf(wc_ref[...]))
           + b1t_ref[...])
    hbf = _bf(jax.nn.gelu(pre))
    acc = hbf[:, 0:32]
    for k in range(1, _K):
        acc = acc + hbf[:, 32 * k:32 * (k + 1)]
    avg = acc * (1.0 / _K)
    red = dot(avg, _bf(w2_ref[...]), precision=lax.Precision.HIGHEST) + b2_ref[...]
    t2 = jax.nn.gelu(dot(_bf(red), _bf(w3_ref[...]),
                         precision=lax.Precision.HIGHEST) + b3_ref[...])
    o_ref[...] = (dot(_bf(t2), _bf(w4_ref[...]),
                      precision=lax.Precision.HIGHEST) + b4_ref[...])


def _run_stage_c(g2, nb, pv_pad, pf_pad, W1, b1, W2, b2, W3, b3, W4, b4):
    eye = jnp.eye(_K, dtype=_F32)
    wg = jnp.kron(eye, W1[0:16])
    wrx = jnp.kron(eye, W1[16:17])
    wry = jnp.kron(eye, W1[17:18])
    wrz = jnp.kron(eye, W1[18:19])
    wc = jnp.tile(W1[19:35], (1, _K))
    b1t = jnp.tile(b1, _K).reshape(1, 32 * _K)
    nblk = g2.shape[0] // _BC
    full = lambda shape: pl.BlockSpec(shape, lambda b: tuple(0 for _ in shape))
    return pl.pallas_call(
        _fwd_body,
        grid=(nblk,),
        in_specs=[
            pl.BlockSpec((_BC, 256), lambda b: (b, 0)),
            pl.BlockSpec((_BC, _K), lambda b: (b, 0)),
            pl.BlockSpec((_BC, 3), lambda b: (b, 0)),
            pl.BlockSpec((_BC, 16), lambda b: (b, 0)),
            full((256, 512)),
            full((16, 512)),
            full((16, 512)),
            full((16, 512)),
            full((16, 512)),
            full((1, 512)),
            full((32, 16)),
            full((1, 16)),
            full((16, 32)),
            full((1, 32)),
            full((32, 16)),
            full((1, 16)),
        ],
        out_specs=pl.BlockSpec((_BC, 16), lambda b: (b, 0)),
        out_shape=jax.ShapeDtypeStruct((g2.shape[0], 16), _F32),
    )(g2, nb, pv_pad, pf_pad, wg, wrx, wry, wrz, wc, b1t,
      W2, b2.reshape(1, 16), W3, b3.reshape(1, 32),
      W4, b4.reshape(1, 16))


def kernel(grid_vertices, grid_feats, point_vertices, point_feats,
           W1, b1, W2, b2, W3, b3, W4, b4):
    M = point_vertices.shape[0]
    pv_pad = jnp.pad(point_vertices, ((0, _MP - M), (0, 0)))
    pf_pad = jnp.pad(point_feats, ((0, _MP - M), (0, 0)))

    H = _MP // 2
    halves = []
    for h in range(2):
        sl = slice(h * H, (h + 1) * H)
        pvh, pfh = pv_pad[sl], pf_pad[sl]
        nbt = _run_stage_a(pvh.T)
        nb = nbt.T
        idx_pm = nb.reshape(H * _K // 128, 128)
        g = _run_sc_gather(grid_feats, idx_pm)
        halves.append((g.reshape(H, _K * 16), nb, pvh, pfh))
    outs = [_run_stage_c(g2, nb, pvh, pfh, W1, b1, W2, b2, W3, b3, W4, b4)
            for g2, nb, pvh, pfh in halves]
    return jnp.concatenate(outs, axis=0)[:M]

# --- scband reference (transcript-rebuilt; emitter-appended) ---
"""Pipeline reference for scband-grid-feature-to-point-graph-conv-49435073577161 (READ-ONLY COPY).

The authoritative reference and input builder live on the scoring server;
editing this copy changes nothing except your own understanding.
"""

import jax, jax.numpy as jnp
import numpy as np

RES = 32
K = 16
AABB_MIN = jnp.array([-1.0, -1.0, -1.0], dtype=jnp.float32)
AABB_MAX = jnp.array([1.0, 1.0, 1.0], dtype=jnp.float32)


def _knn(query, base, k, chunk=1000):
    # query [M,3], base [N,3] -> int32 indices [M,k] of k nearest base points
    base_sq = jnp.sum(base * base, axis=1)
    baseT = base.T

    def body(q):
        d = jnp.sum(q * q, axis=1, keepdims=True) - 2.0 * (q @ baseT) + base_sq[None, :]
        _, idx = jax.lax.top_k(-d, k)
        return idx

    M = query.shape[0]
    qc = query.reshape(M // chunk, chunk, query.shape[1])
    idx = jax.lax.map(body, qc)
    return idx.reshape(M, k)


def setup_inputs(seed: int = 0):
    key = jax.random.key(seed)
    ks = jax.random.split(key, 8)
    # regular grid of cell-center vertices inside the AABB (GridFeatures.point_features.vertices)
    lin = (jnp.arange(RES, dtype=jnp.float32) + 0.5) / RES * 2.0 - 1.0
    gx, gy, gz = jnp.meshgrid(lin, lin, lin, indexing='ij')
    grid_vertices = jnp.stack([gx.ravel(), gy.ravel(), gz.ravel()], axis=1)
    grid_feats = jax.random.normal(ks[0], (RES ** 3, 16), dtype=jnp.float32)
    point_vertices = jax.random.uniform(ks[1], (50000, 3), dtype=jnp.float32) * 2.0 - 1.0
    point_feats = jax.random.normal(ks[2], (50000, 16), dtype=jnp.float32)
    # edge_transform_mlp: Linear(35=16+3+16 -> 32) GELU Linear(32 -> 16)
    W1 = jax.random.normal(ks[3], (35, 32), dtype=jnp.float32) * 0.1
    b1 = jnp.zeros((32,), dtype=jnp.float32)
    W2 = jax.random.normal(ks[4], (32, 16), dtype=jnp.float32) * 0.1
    b2 = jnp.zeros((16,), dtype=jnp.float32)
    # out_transform_mlp: Linear(16*len(reductions) -> 32) GELU Linear(32 -> 16)
    W3 = jax.random.normal(ks[5], (16, 32), dtype=jnp.float32) * 0.1
    b3 = jnp.zeros((32,), dtype=jnp.float32)
    W4 = jax.random.normal(ks[6], (32, 16), dtype=jnp.float32) * 0.1
    b4 = jnp.zeros((16,), dtype=jnp.float32)
    return dict(grid_vertices=grid_vertices, grid_feats=grid_feats,
                point_vertices=point_vertices, point_feats=point_feats,
                W1=W1, b1=b1, W2=W2, b2=b2, W3=W3, b3=b3, W4=W4, b4=b4)


def reference(grid_vertices, grid_feats, point_vertices, point_feats,
              W1, b1, W2, b2, W3, b3, W4, b4):
    # vertices_scaler = resolution / (aabb_max - aabb_min)
    scaler = jnp.float32(RES) / (AABB_MAX - AABB_MIN)
    in_v = grid_vertices * scaler
    out_v = point_vertices * scaler
    nb = _knn(out_v, in_v, K)                                  # [M, K]
    rep_in = jnp.take(grid_feats, nb, axis=0)                  # [M, K, 16] gather of grid features
    rel = jnp.take(in_v, nb, axis=0) - out_v[:, None, :]       # [M, K, 3] relative positions
    self_f = jnp.broadcast_to(point_feats[:, None, :],
                              (point_feats.shape[0], K, point_feats.shape[1]))
    edge = jnp.concatenate([rep_in, rel, self_f], axis=-1)     # [M, K, 35]
    h = jax.nn.gelu(edge @ W1 + b1) @ W2 + b2                  # edge MLP
    red = jnp.mean(h, axis=1)                                  # 'mean' reduction over K neighbors
    out = jax.nn.gelu(red @ W3 + b3) @ W4 + b4                 # out transform MLP
    return out

if __name__ == "__main__":
    import jax
    _d = setup_inputs()
    print(jax.jit(kernel)(*tuple(_d.values())))

</pallas_src>

<mosaic_0001>
#map = affine_map<(d0, d1) -> (0, 0)>
module attributes {stable_mosaic.version = 14 : i64} {
  func.func @gather_k(%arg0: i32, %arg1: i32, %arg2: memref<32768x16xf32, #tpu.memory_space<hbm>>, %arg3: memref<3136x128xi32, #tpu.memory_space<hbm>>, %arg4: memref<401408x16xf32, #tpu.memory_space<hbm>>, %arg5: memref<7x128xi32, #tpu.memory_space<vmem>>, %arg6: memref<896x16xf32, #tpu.memory_space<vmem>>, %arg7: memref<!tpu.dma_semaphore, #tpu.memory_space<semaphore_mem>>) attributes {dimension_semantics = [#tpu.dimension_semantics<core_parallel>, #tpu.dimension_semantics<subcore_parallel>], iteration_bounds = array<i64: 2, 16>, scalar_prefetch = 0 : i64, scratch_operands = 3 : i64, tpu.core_type = #tpu.core_type<sc_vector_subcore>, window_params = [{transform_indices = #map}, {transform_indices = #map}, {transform_indices = #map}]} {
    %mul3A = arith.constant 2 : i32
    %mul3A_0 = arith.muli %arg1, %mul3A : i32
    %add3A = arith.addi %mul3A_0, %arg0 : i32
    %scan3A = arith.constant 0 : i32
    %scan3A_1 = arith.constant 0 : i32
    %scan3A_2 = arith.constant 14 : i32
    %scan3A_3 = arith.addi %scan3A_1, %scan3A_2 : i32
    %scan3A_4 = arith.constant 1 : i32
    scf.for %scan3A_6 = %scan3A_1 to %scan3A_3 step %scan3A_4  : i32 {
      %mul3A_7 = arith.constant 14 : i32
      %mul3A_8 = arith.muli %add3A, %mul3A_7 : i32
      %add3A_9 = arith.addi %mul3A_8, %scan3A_6 : i32
      %mul3A_10 = arith.constant 7 : i32
      %mul3A_11 = arith.muli %add3A_9, %mul3A_10 : i32
      "tpu.region"() ({
        %run_scoped3A = tpu.sem_alloc : memref<!tpu.dma_semaphore, #tpu.memory_space<semaphore_mem>>
        %dma_start3A_152 = arith.constant 0 : i32
        %dma_start3A_153 = tpu.memref_slice %arg3[%mul3A_11, %dma_start3A_152] : memref<3136x128xi32, #tpu.memory_space<hbm>> -> memref<7x128xi32, #tpu.memory_space<hbm>>
        %dma_start3A_154 = arith.constant 0 : i32
        %dma_start3A_155 = tpu.memref_slice %arg3[%mul3A_11, %dma_start3A_154] : memref<3136x128xi32, #tpu.memory_space<hbm>> -> memref<7x128xi32, #tpu.memory_space<hbm>>
        tpu.enqueue_dma source(%dma_start3A_155 : memref<7x128xi32, #tpu.memory_space<hbm>>) target(%arg5 : memref<7x128xi32, #tpu.memory_space<vmem>>) target_semaphore(%run_scoped3A : memref<!tpu.dma_semaphore, #tpu.memory_space<semaphore_mem>>)
        %dma_wait3A_156 = arith.constant 0 : i32
        %dma_wait3A_157 = tpu.memref_slice %arg3[%mul3A_11, %dma_wait3A_156] : memref<3136x128xi32, #tpu.memory_space<hbm>> -> memref<7x128xi32, #tpu.memory_space<hbm>>
        %dma_wait3A_158 = arith.constant 0 : i32
        %dma_wait3A_159 = tpu.memref_slice %arg3[%mul3A_11, %dma_wait3A_158] : memref<3136x128xi32, #tpu.memory_space<hbm>> -> memref<7x128xi32, #tpu.memory_space<hbm>>
        tpu.wait_dma2 semaphore(%run_scoped3A : memref<!tpu.dma_semaphore, #tpu.memory_space<semaphore_mem>>) src(%dma_wait3A_159 : memref<7x128xi32, #tpu.memory_space<hbm>>) dst(%arg5 : memref<7x128xi32, #tpu.memory_space<vmem>>)
        tpu.yield
      }) : () -> ()
      %dma_start3A = arith.constant 0 : i32
      %dma_start3A_12 = arith.constant 0 : i32
      %dma_start3A_13 = arith.constant 0 : i32
      %dma_start3A_14 = tpu.memref_slice %arg6[%dma_start3A_12, %dma_start3A_13] : memref<896x16xf32, #tpu.memory_space<vmem>> -> memref<128x16xf32, #tpu.memory_space<vmem>>
      %dma_start3A_15 = arith.constant 0 : i32
      %dma_start3A_16 = tpu.memref_slice %arg5[%dma_start3A, %dma_start3A_15] : memref<7x128xi32, #tpu.memory_space<vmem>> -> memref<1x128xi32, #tpu.memory_space<vmem>>
      %dma_start3A_17 = tpu.memref_squeeze %dma_start3A_16 : memref<1x128xi32, #tpu.memory_space<vmem>> -> memref<128xi32, #tpu.memory_space<vmem>>
      %dma_start3A_18 = arith.constant 0 : i32
      %dma_start3A_19 = arith.constant 0 : i32
      %dma_start3A_20 = tpu.memref_slice %arg2[%dma_start3A_18, %dma_start3A_19] : memref<32768x16xf32, #tpu.memory_space<hbm>> -> memref<32768x16xf32, #tpu.memory_space<hbm>>
      tpu.enqueue_indirect_dma source(%dma_start3A_20 : memref<32768x16xf32, #tpu.memory_space<hbm>>) target(%dma_start3A_14 : memref<128x16xf32, #tpu.memory_space<vmem>>) offsets(%dma_start3A_17 : memref<128xi32, #tpu.memory_space<vmem>>) semaphore(%arg7 : memref<!tpu.dma_semaphore, #tpu.memory_space<semaphore_mem>>)
      %dma_start3A_21 = arith.constant 1 : i32
      %dma_start3A_22 = arith.constant 128 : i32
      %dma_start3A_23 = arith.constant 0 : i32
      %dma_start3A_24 = tpu.memref_slice %arg6[%dma_start3A_22, %dma_start3A_23] : memref<896x16xf32, #tpu.memory_space<vmem>> -> memref<128x16xf32, #tpu.memory_space<vmem>>
      %dma_start3A_25 = arith.constant 0 : i32
      %dma_start3A_26 = tpu.memref_slice %arg5[%dma_start3A_21, %dma_start3A_25] : memref<7x128xi32, #tpu.memory_space<vmem>> -> memref<1x128xi32, #tpu.memory_space<vmem>>
      %dma_start3A_27 = tpu.memref_squeeze %dma_start3A_26 : memref<1x128xi32, #tpu.memory_space<vmem>> -> memref<128xi32, #tpu.memory_space<vmem>>
      %dma_start3A_28 = arith.constant 0 : i32
      %dma_start3A_29 = arith.constant 0 : i32
      %dma_start3A_30 = tpu.memref_slice %arg2[%dma_start3A_28, %dma_start3A_29] : memref<32768x16xf32, #tpu.memory_space<hbm>> -> memref<32768x16xf32, #tpu.memory_space<hbm>>
      tpu.enqueue_indirect_dma source(%dma_start3A_30 : memref<32768x16xf32, #tpu.memory_space<hbm>>) target(%dma_start3A_24 : memref<128x16xf32, #tpu.memory_space<vmem>>) offsets(%dma_start3A_27 : memref<128xi32, #tpu.memory_space<vmem>>) semaphore(%arg7 : memref<!tpu.dma_semaphore, #tpu.memory_space<semaphore_mem>>)
      %dma_start3A_31 = arith.constant 2 : i32
      %dma_start3A_32 = arith.constant 256 : i32
      %dma_start3A_33 = arith.constant 0 : i32
      %dma_start3A_34 = tpu.memref_slice %arg6[%dma_start3A_32, %dma_start3A_33] : memref<896x16xf32, #tpu.memory_space<vmem>> -> memref<128x16xf32, #tpu.memory_space<vmem>>
      %dma_start3A_35 = arith.constant 0 : i32
      %dma_start3A_36 = tpu.memref_slice %arg5[%dma_start3A_31, %dma_start3A_35] : memref<7x128xi32, #tpu.memory_space<vmem>> -> memref<1x128xi32, #tpu.memory_space<vmem>>
      %dma_start3A_37 = tpu.memref_squeeze %dma_start3A_36 : memref<1x128xi32, #tpu.memory_space<vmem>> -> memref<128xi32, #tpu.memory_space<vmem>>
      %dma_start3A_38 = arith.constant 0 : i32
      %dma_start3A_39 = arith.constant 0 : i32
      %dma_start3A_40 = tpu.memref_slice %arg2[%dma_start3A_38, %dma_start3A_39] : memref<32768x16xf32, #tpu.memory_space<hbm>> -> memref<32768x16xf32, #tpu.memory_space<hbm>>
      tpu.enqueue_indirect_dma source(%dma_start3A_40 : memref<32768x16xf32, #tpu.memory_space<hbm>>) target(%dma_start3A_34 : memref<128x16xf32, #tpu.memory_space<vmem>>) offsets(%dma_start3A_37 : memref<128xi32, #tpu.memory_space<vmem>>) semaphore(%arg7 : memref<!tpu.dma_semaphore, #tpu.memory_space<semaphore_mem>>)
      %dma_start3A_41 = arith.constant 3 : i32
      %dma_start3A_42 = arith.constant 384 : i32
      %dma_start3A_43 = arith.constant 0 : i32
      %dma_start3A_44 = tpu.memref_slice %arg6[%dma_start3A_42, %dma_start3A_43] : memref<896x16xf32, #tpu.memory_space<vmem>> -> memref<128x16xf32, #tpu.memory_space<vmem>>
      %dma_start3A_45 = arith.constant 0 : i32
      %dma_start3A_46 = tpu.memref_slice %arg5[%dma_start3A_41, %dma_start3A_45] : memref<7x128xi32, #tpu.memory_space<vmem>> -> memref<1x128xi32, #tpu.memory_space<vmem>>
      %dma_start3A_47 = tpu.memref_squeeze %dma_start3A_46 : memref<1x128xi32, #tpu.memory_space<vmem>> -> memref<128xi32, #tpu.memory_space<vmem>>
      %dma_start3A_48 = arith.constant 0 : i32
      %dma_start3A_49 = arith.constant 0 : i32
      %dma_start3A_50 = tpu.memref_slice %arg2[%dma_start3A_48, %dma_start3A_49] : memref<32768x16xf32, #tpu.memory_space<hbm>> -> memref<32768x16xf32, #tpu.memory_space<hbm>>
      tpu.enqueue_indirect_dma source(%dma_start3A_50 : memref<32768x16xf32, #tpu.memory_space<hbm>>) target(%dma_start3A_44 : memref<128x16xf32, #tpu.memory_space<vmem>>) offsets(%dma_start3A_47 : memref<128xi32, #tpu.memory_space<vmem>>) semaphore(%arg7 : memref<!tpu.dma_semaphore, #tpu.memory_space<semaphore_mem>>)
      %dma_start3A_51 = arith.constant 4 : i32
      %dma_start3A_52 = arith.constant 512 : i32
      %dma_start3A_53 = arith.constant 0 : i32
      %dma_start3A_54 = tpu.memref_slice %arg6[%dma_start3A_52, %dma_start3A_53] : memref<896x16xf32, #tpu.memory_space<vmem>> -> memref<128x16xf32, #tpu.memory_space<vmem>>
      %dma_start3A_55 = arith.constant 0 : i32
      %dma_start3A_56 = tpu.memref_slice %arg5[%dma_start3A_51, %dma_start3A_55] : memref<7x128xi32, #tpu.memory_space<vmem>> -> memref<1x128xi32, #tpu.memory_space<vmem>>
      %dma_start3A_57 = tpu.memref_squeeze %dma_start3A_56 : memref<1x128xi32, #tpu.memory_space<vmem>> -> memref<128xi32, #tpu.memory_space<vmem>>
      %dma_start3A_58 = arith.constant 0 : i32
      %dma_start3A_59 = arith.constant 0 : i32
      %dma_start3A_60 = tpu.memref_slice %arg2[%dma_start3A_58, %dma_start3A_59] : memref<32768x16xf32, #tpu.memory_space<hbm>> -> memref<32768x16xf32, #tpu.memory_space<hbm>>
      tpu.enqueue_indirect_dma source(%dma_start3A_60 : memref<32768x16xf32, #tpu.memory_space<hbm>>) target(%dma_start3A_54 : memref<128x16xf32, #tpu.memory_space<vmem>>) offsets(%dma_start3A_57 : memref<128xi32, #tpu.memory_space<vmem>>) semaphore(%arg7 : memref<!tpu.dma_semaphore, #tpu.memory_space<semaphore_mem>>)
      %dma_start3A_61 = arith.constant 5 : i32
      %dma_start3A_62 = arith.constant 640 : i32
      %dma_start3A_63 = arith.constant 0 : i32
      %dma_start3A_64 = tpu.memref_slice %arg6[%dma_start3A_62, %dma_start3A_63] : memref<896x16xf32, #tpu.memory_space<vmem>> -> memref<128x16xf32, #tpu.memory_space<vmem>>
      %dma_start3A_65 = arith.constant 0 : i32
      %dma_start3A_66 = tpu.memref_slice %arg5[%dma_start3A_61, %dma_start3A_65] : memref<7x128xi32, #tpu.memory_space<vmem>> -> memref<1x128xi32, #tpu.memory_space<vmem>>
      %dma_start3A_67 = tpu.memref_squeeze %dma_start3A_66 : memref<1x128xi32, #tpu.memory_space<vmem>> -> memref<128xi32, #tpu.memory_space<vmem>>
      %dma_start3A_68 = arith.constant 0 : i32
      %dma_start3A_69 = arith.constant 0 : i32
      %dma_start3A_70 = tpu.memref_slice %arg2[%dma_start3A_68, %dma_start3A_69] : memref<32768x16xf32, #tpu.memory_space<hbm>> -> memref<32768x16xf32, #tpu.memory_space<hbm>>
      tpu.enqueue_indirect_dma source(%dma_start3A_70 : memref<32768x16xf32, #tpu.memory_space<hbm>>) target(%dma_start3A_64 : memref<128x16xf32, #tpu.memory_space<vmem>>) offsets(%dma_start3A_67 : memref<128xi32, #tpu.memory_space<vmem>>) semaphore(%arg7 : memref<!tpu.dma_semaphore, #tpu.memory_space<semaphore_mem>>)
      %dma_start3A_71 = arith.constant 6 : i32
      %dma_start3A_72 = arith.constant 768 : i32
      %dma_start3A_73 = arith.constant 0 : i32
      %dma_start3A_74 = tpu.memref_slice %arg6[%dma_start3A_72, %dma_start3A_73] : memref<896x16xf32, #tpu.memory_space<vmem>> -> memref<128x16xf32, #tpu.memory_space<vmem>>
      %dma_start3A_75 = arith.constant 0 : i32
      %dma_start3A_76 = tpu.memref_slice %arg5[%dma_start3A_71, %dma_start3A_75] : memref<7x128xi32, #tpu.memory_space<vmem>> -> memref<1x128xi32, #tpu.memory_space<vmem>>
      %dma_start3A_77 = tpu.memref_squeeze %dma_start3A_76 : memref<1x128xi32, #tpu.memory_space<vmem>> -> memref<128xi32, #tpu.memory_space<vmem>>
      %dma_start3A_78 = arith.constant 0 : i32
      %dma_start3A_79 = arith.constant 0 : i32
      %dma_start3A_80 = tpu.memref_slice %arg2[%dma_start3A_78, %dma_start3A_79] : memref<32768x16xf32, #tpu.memory_space<hbm>> -> memref<32768x16xf32, #tpu.memory_space<hbm>>
      tpu.enqueue_indirect_dma source(%dma_start3A_80 : memref<32768x16xf32, #tpu.memory_space<hbm>>) target(%dma_start3A_74 : memref<128x16xf32, #tpu.memory_space<vmem>>) offsets(%dma_start3A_77 : memref<128xi32, #tpu.memory_space<vmem>>) semaphore(%arg7 : memref<!tpu.dma_semaphore, #tpu.memory_space<semaphore_mem>>)
      %dma_wait3A = arith.constant 0 : i32
      %dma_wait3A_81 = arith.constant 0 : i32
      %dma_wait3A_82 = arith.constant 0 : i32
      %dma_wait3A_83 = tpu.memref_slice %arg6[%dma_wait3A_81, %dma_wait3A_82] : memref<896x16xf32, #tpu.memory_space<vmem>> -> memref<128x16xf32, #tpu.memory_space<vmem>>
      %dma_wait3A_84 = arith.constant 0 : i32
      %dma_wait3A_85 = tpu.memref_slice %arg5[%dma_wait3A, %dma_wait3A_84] : memref<7x128xi32, #tpu.memory_space<vmem>> -> memref<1x128xi32, #tpu.memory_space<vmem>>
      %dma_wait3A_86 = tpu.memref_squeeze %dma_wait3A_85 : memref<1x128xi32, #tpu.memory_space<vmem>> -> memref<128xi32, #tpu.memory_space<vmem>>
      %dma_wait3A_87 = arith.constant 0 : i32
      %dma_wait3A_88 = arith.constant 0 : i32
      %dma_wait3A_89 = tpu.memref_slice %arg2[%dma_wait3A_87, %dma_wait3A_88] : memref<32768x16xf32, #tpu.memory_space<hbm>> -> memref<32768x16xf32, #tpu.memory_space<hbm>>
      tpu.wait_indirect_dma semaphore(%arg7 : memref<!tpu.dma_semaphore, #tpu.memory_space<semaphore_mem>>) src(%dma_wait3A_89 : memref<32768x16xf32, #tpu.memory_space<hbm>>) dst(%dma_wait3A_83 : memref<128x16xf32, #tpu.memory_space<vmem>>)
      %dma_wait3A_90 = arith.constant 1 : i32
      %dma_wait3A_91 = arith.constant 128 : i32
      %dma_wait3A_92 = arith.constant 0 : i32
      %dma_wait3A_93 = tpu.memref_slice %arg6[%dma_wait3A_91, %dma_wait3A_92] : memref<896x16xf32, #tpu.memory_space<vmem>> -> memref<128x16xf32, #tpu.memory_space<vmem>>
      %dma_wait3A_94 = arith.constant 0 : i32
      %dma_wait3A_95 = tpu.memref_slice %arg5[%dma_wait3A_90, %dma_wait3A_94] : memref<7x128xi32, #tpu.memory_space<vmem>> -> memref<1x128xi32, #tpu.memory_space<vmem>>
      %dma_wait3A_96 = tpu.memref_squeeze %dma_wait3A_95 : memref<1x128xi32, #tpu.memory_space<vmem>> -> memref<128xi32, #tpu.memory_space<vmem>>
      %dma_wait3A_97 = arith.constant 0 : i32
      %dma_wait3A_98 = arith.constant 0 : i32
      %dma_wait3A_99 = tpu.memref_slice %arg2[%dma_wait3A_97, %dma_wait3A_98] : memref<32768x16xf32, #tpu.memory_space<hbm>> -> memref<32768x16xf32, #tpu.memory_space<hbm>>
      tpu.wait_indirect_dma semaphore(%arg7 : memref<!tpu.dma_semaphore, #tpu.memory_space<semaphore_mem>>) src(%dma_wait3A_99 : memref<32768x16xf32, #tpu.memory_space<hbm>>) dst(%dma_wait3A_93 : memref<128x16xf32, #tpu.memory_space<vmem>>)
      %dma_wait3A_100 = arith.constant 2 : i32
      %dma_wait3A_101 = arith.constant 256 : i32
      %dma_wait3A_102 = arith.constant 0 : i32
      %dma_wait3A_103 = tpu.memref_slice %arg6[%dma_wait3A_101, %dma_wait3A_102] : memref<896x16xf32, #tpu.memory_space<vmem>> -> memref<128x16xf32, #tpu.memory_space<vmem>>
      %dma_wait3A_104 = arith.constant 0 : i32
      %dma_wait3A_105 = tpu.memref_slice %arg5[%dma_wait3A_100, %dma_wait3A_104] : memref<7x128xi32, #tpu.memory_space<vmem>> -> memref<1x128xi32, #tpu.memory_space<vmem>>
      %dma_wait3A_106 = tpu.memref_squeeze %dma_wait3A_105 : memref<1x128xi32, #tpu.memory_space<vmem>> -> memref<128xi32, #tpu.memory_space<vmem>>
      %dma_wait3A_107 = arith.constant 0 : i32
      %dma_wait3A_108 = arith.constant 0 : i32
      %dma_wait3A_109 = tpu.memref_slice %arg2[%dma_wait3A_107, %dma_wait3A_108] : memref<32768x16xf32, #tpu.memory_space<hbm>> -> memref<32768x16xf32, #tpu.memory_space<hbm>>
      tpu.wait_indirect_dma semaphore(%arg7 : memref<!tpu.dma_semaphore, #tpu.memory_space<semaphore_mem>>) src(%dma_wait3A_109 : memref<32768x16xf32, #tpu.memory_space<hbm>>) dst(%dma_wait3A_103 : memref<128x16xf32, #tpu.memory_space<vmem>>)
      %dma_wait3A_110 = arith.constant 3 : i32
      %dma_wait3A_111 = arith.constant 384 : i32
      %dma_wait3A_112 = arith.constant 0 : i32
      %dma_wait3A_113 = tpu.memref_slice %arg6[%dma_wait3A_111, %dma_wait3A_112] : memref<896x16xf32, #tpu.memory_space<vmem>> -> memref<128x16xf32, #tpu.memory_space<vmem>>
      %dma_wait3A_114 = arith.constant 0 : i32
      %dma_wait3A_115 = tpu.memref_slice %arg5[%dma_wait3A_110, %dma_wait3A_114] : memref<7x128xi32, #tpu.memory_space<vmem>> -> memref<1x128xi32, #tpu.memory_space<vmem>>
      %dma_wait3A_116 = tpu.memref_squeeze %dma_wait3A_115 : memref<1x128xi32, #tpu.memory_space<vmem>> -> memref<128xi32, #tpu.memory_space<vmem>>
      %dma_wait3A_117 = arith.constant 0 : i32
      %dma_wait3A_118 = arith.constant 0 : i32
      %dma_wait3A_119 = tpu.memref_slice %arg2[%dma_wait3A_117, %dma_wait3A_118] : memref<32768x16xf32, #tpu.memory_space<hbm>> -> memref<32768x16xf32, #tpu.memory_space<hbm>>
      tpu.wait_indirect_dma semaphore(%arg7 : memref<!tpu.dma_semaphore, #tpu.memory_space<semaphore_mem>>) src(%dma_wait3A_119 : memref<32768x16xf32, #tpu.memory_space<hbm>>) dst(%dma_wait3A_113 : memref<128x16xf32, #tpu.memory_space<vmem>>)
      %dma_wait3A_120 = arith.constant 4 : i32
      %dma_wait3A_121 = arith.constant 512 : i32
      %dma_wait3A_122 = arith.constant 0 : i32
      %dma_wait3A_123 = tpu.memref_slice %arg6[%dma_wait3A_121, %dma_wait3A_122] : memref<896x16xf32, #tpu.memory_space<vmem>> -> memref<128x16xf32, #tpu.memory_space<vmem>>
      %dma_wait3A_124 = arith.constant 0 : i32
      %dma_wait3A_125 = tpu.memref_slice %arg5[%dma_wait3A_120, %dma_wait3A_124] : memref<7x128xi32, #tpu.memory_space<vmem>> -> memref<1x128xi32, #tpu.memory_space<vmem>>
      %dma_wait3A_126 = tpu.memref_squeeze %dma_wait3A_125 : memref<1x128xi32, #tpu.memory_space<vmem>> -> memref<128xi32, #tpu.memory_space<vmem>>
      %dma_wait3A_127 = arith.constant 0 : i32
      %dma_wait3A_128 = arith.constant 0 : i32
      %dma_wait3A_129 = tpu.memref_slice %arg2[%dma_wait3A_127, %dma_wait3A_128] : memref<32768x16xf32, #tpu.memory_space<hbm>> -> memref<32768x16xf32, #tpu.memory_space<hbm>>
      tpu.wait_indirect_dma semaphore(%arg7 : memref<!tpu.dma_semaphore, #tpu.memory_space<semaphore_mem>>) src(%dma_wait3A_129 : memref<32768x16xf32, #tpu.memory_space<hbm>>) dst(%dma_wait3A_123 : memref<128x16xf32, #tpu.memory_space<vmem>>)
      %dma_wait3A_130 = arith.constant 5 : i32
      %dma_wait3A_131 = arith.constant 640 : i32
      %dma_wait3A_132 = arith.constant 0 : i32
      %dma_wait3A_133 = tpu.memref_slice %arg6[%dma_wait3A_131, %dma_wait3A_132] : memref<896x16xf32, #tpu.memory_space<vmem>> -> memref<128x16xf32, #tpu.memory_space<vmem>>
      %dma_wait3A_134 = arith.constant 0 : i32
      %dma_wait3A_135 = tpu.memref_slice %arg5[%dma_wait3A_130, %dma_wait3A_134] : memref<7x128xi32, #tpu.memory_space<vmem>> -> memref<1x128xi32, #tpu.memory_space<vmem>>
      %dma_wait3A_136 = tpu.memref_squeeze %dma_wait3A_135 : memref<1x128xi32, #tpu.memory_space<vmem>> -> memref<128xi32, #tpu.memory_space<vmem>>
      %dma_wait3A_137 = arith.constant 0 : i32
      %dma_wait3A_138 = arith.constant 0 : i32
      %dma_wait3A_139 = tpu.memref_slice %arg2[%dma_wait3A_137, %dma_wait3A_138] : memref<32768x16xf32, #tpu.memory_space<hbm>> -> memref<32768x16xf32, #tpu.memory_space<hbm>>
      tpu.wait_indirect_dma semaphore(%arg7 : memref<!tpu.dma_semaphore, #tpu.memory_space<semaphore_mem>>) src(%dma_wait3A_139 : memref<32768x16xf32, #tpu.memory_space<hbm>>) dst(%dma_wait3A_133 : memref<128x16xf32, #tpu.memory_space<vmem>>)
      %dma_wait3A_140 = arith.constant 6 : i32
      %dma_wait3A_141 = arith.constant 768 : i32
      %dma_wait3A_142 = arith.constant 0 : i32
      %dma_wait3A_143 = tpu.memref_slice %arg6[%dma_wait3A_141, %dma_wait3A_142] : memref<896x16xf32, #tpu.memory_space<vmem>> -> memref<128x16xf32, #tpu.memory_space<vmem>>
      %dma_wait3A_144 = arith.constant 0 : i32
      %dma_wait3A_145 = tpu.memref_slice %arg5[%dma_wait3A_140, %dma_wait3A_144] : memref<7x128xi32, #tpu.memory_space<vmem>> -> memref<1x128xi32, #tpu.memory_space<vmem>>
      %dma_wait3A_146 = tpu.memref_squeeze %dma_wait3A_145 : memref<1x128xi32, #tpu.memory_space<vmem>> -> memref<128xi32, #tpu.memory_space<vmem>>
      %dma_wait3A_147 = arith.constant 0 : i32
      %dma_wait3A_148 = arith.constant 0 : i32
      %dma_wait3A_149 = tpu.memref_slice %arg2[%dma_wait3A_147, %dma_wait3A_148] : memref<32768x16xf32, #tpu.memory_space<hbm>> -> memref<32768x16xf32, #tpu.memory_space<hbm>>
      tpu.wait_indirect_dma semaphore(%arg7 : memref<!tpu.dma_semaphore, #tpu.memory_space<semaphore_mem>>) src(%dma_wait3A_149 : memref<32768x16xf32, #tpu.memory_space<hbm>>) dst(%dma_wait3A_143 : memref<128x16xf32, #tpu.memory_space<vmem>>)
      %mul3A_150 = arith.constant 128 : i32
      %mul3A_151 = arith.muli %mul3A_11, %mul3A_150 : i32
      "tpu.region"() ({
        %run_scoped3A = tpu.sem_alloc : memref<!tpu.dma_semaphore, #tpu.memory_space<semaphore_mem>>
        %dma_start3A_152 = arith.constant 0 : i32
        %dma_start3A_153 = tpu.memref_slice %arg4[%mul3A_151, %dma_start3A_152] : memref<401408x16xf32, #tpu.memory_space<hbm>> -> memref<896x16xf32, #tpu.memory_space<hbm>>
        %dma_start3A_154 = arith.constant 0 : i32
        %dma_start3A_155 = tpu.memref_slice %arg4[%mul3A_151, %dma_start3A_154] : memref<401408x16xf32, #tpu.memory_space<hbm>> -> memref<896x16xf32, #tpu.memory_space<hbm>>
        tpu.enqueue_dma source(%arg6 : memref<896x16xf32, #tpu.memory_space<vmem>>) target(%dma_start3A_155 : memref<896x16xf32, #tpu.memory_space<hbm>>) target_semaphore(%run_scoped3A : memref<!tpu.dma_semaphore, #tpu.memory_space<semaphore_mem>>)
        %dma_wait3A_156 = arith.constant 0 : i32
        %dma_wait3A_157 = tpu.memref_slice %arg4[%mul3A_151, %dma_wait3A_156] : memref<401408x16xf32, #tpu.memory_space<hbm>> -> memref<896x16xf32, #tpu.memory_space<hbm>>
        %dma_wait3A_158 = arith.constant 0 : i32
        %dma_wait3A_159 = tpu.memref_slice %arg4[%mul3A_151, %dma_wait3A_158] : memref<401408x16xf32, #tpu.memory_space<hbm>> -> memref<896x16xf32, #tpu.memory_space<hbm>>
        tpu.wait_dma2 semaphore(%run_scoped3A : memref<!tpu.dma_semaphore, #tpu.memory_space<semaphore_mem>>) src(%arg6 : memref<896x16xf32, #tpu.memory_space<vmem>>) dst(%dma_wait3A_159 : memref<896x16xf32, #tpu.memory_space<hbm>>)
        tpu.yield
      }) : () -> ()
    }
    %scan3A_5 = arith.constant 14 : i32
    return
  }
}

#map = affine_map<(d0, d1) -> (0, 0)>
module attributes {stable_mosaic.version = 14 : i64} {
  func.func @gather_k(%arg0: i32, %arg1: i32, %arg2: memref<32768x16xf32, #tpu.memory_space<hbm>>, %arg3: memref<3136x128xi32, #tpu.memory_space<hbm>>, %arg4: memref<401408x16xf32, #tpu.memory_space<hbm>>, %arg5: memref<7x128xi32, #tpu.memory_space<vmem>>, %arg6: memref<896x16xf32, #tpu.memory_space<vmem>>, %arg7: memref<!tpu.dma_semaphore, #tpu.memory_space<semaphore_mem>>) attributes {dimension_semantics = [#tpu.dimension_semantics<core_parallel>, #tpu.dimension_semantics<subcore_parallel>], iteration_bounds = array<i64: 2, 16>, scalar_prefetch = 0 : i64, scratch_operands = 3 : i64, tpu.core_type = #tpu.core_type<sc_vector_subcore>, window_params = [{transform_indices = #map}, {transform_indices = #map}, {transform_indices = #map}]} {
    %mul3A = arith.constant 2 : i32
    %mul3A_0 = arith.muli %arg1, %mul3A : i32
    %add3A = arith.addi %mul3A_0, %arg0 : i32
    %scan3A = arith.constant 0 : i32
    %scan3A_1 = arith.constant 0 : i32
    %scan3A_2 = arith.constant 14 : i32
    %scan3A_3 = arith.addi %scan3A_1, %scan3A_2 : i32
    %scan3A_4 = arith.constant 1 : i32
    scf.for %scan3A_6 = %scan3A_1 to %scan3A_3 step %scan3A_4  : i32 {
      %mul3A_7 = arith.constant 14 : i32
      %mul3A_8 = arith.muli %add3A, %mul3A_7 : i32
      %add3A_9 = arith.addi %mul3A_8, %scan3A_6 : i32
      %mul3A_10 = arith.constant 7 : i32
      %mul3A_11 = arith.muli %add3A_9, %mul3A_10 : i32
      "tpu.region"() ({
        %run_scoped3A = tpu.sem_alloc : memref<!tpu.dma_semaphore, #tpu.memory_space<semaphore_mem>>
        %dma_start3A_152 = arith.constant 0 : i32
        %dma_start3A_153 = tpu.memref_slice %arg3[%mul3A_11, %dma_start3A_152] : memref<3136x128xi32, #tpu.memory_space<hbm>> -> memref<7x128xi32, #tpu.memory_space<hbm>>
        %dma_start3A_154 = arith.constant 0 : i32
        %dma_start3A_155 = tpu.memref_slice %arg3[%mul3A_11, %dma_start3A_154] : memref<3136x128xi32, #tpu.memory_space<hbm>> -> memref<7x128xi32, #tpu.memory_space<hbm>>
        tpu.enqueue_dma source(%dma_start3A_155 : memref<7x128xi32, #tpu.memory_space<hbm>>) target(%arg5 : memref<7x128xi32, #tpu.memory_space<vmem>>) target_semaphore(%run_scoped3A : memref<!tpu.dma_semaphore, #tpu.memory_space<semaphore_mem>>)
        %dma_wait3A_156 = arith.constant 0 : i32
        %dma_wait3A_157 = tpu.memref_slice %arg3[%mul3A_11, %dma_wait3A_156] : memref<3136x128xi32, #tpu.memory_space<hbm>> -> memref<7x128xi32, #tpu.memory_space<hbm>>
        %dma_wait3A_158 = arith.constant 0 : i32
        %dma_wait3A_159 = tpu.memref_slice %arg3[%mul3A_11, %dma_wait3A_158] : memref<3136x128xi32, #tpu.memory_space<hbm>> -> memref<7x128xi32, #tpu.memory_space<hbm>>
        tpu.wait_dma2 semaphore(%run_scoped3A : memref<!tpu.dma_semaphore, #tpu.memory_space<semaphore_mem>>) src(%dma_wait3A_159 : memref<7x128xi32, #tpu.memory_space<hbm>>) dst(%arg5 : memref<7x128xi32, #tpu.memory_space<vmem>>)
        tpu.yield
      }) : () -> ()
      %dma_start3A = arith.constant 0 : i32
      %dma_start3A_12 = arith.constant 0 : i32
      %dma_start3A_13 = arith.constant 0 : i32
      %dma_start3A_14 = tpu.memref_slice %arg6[%dma_start3A_12, %dma_start3A_13] : memref<896x16xf32, #tpu.memory_space<vmem>> -> memref<128x16xf32, #tpu.memory_space<vmem>>
      %dma_start3A_15 = arith.constant 0 : i32
      %dma_start3A_16 = tpu.memref_slice %arg5[%dma_start3A, %dma_start3A_15] : memref<7x128xi32, #tpu.memory_space<vmem>> -> memref<1x128xi32, #tpu.memory_space<vmem>>
      %dma_start3A_17 = tpu.memref_squeeze %dma_start3A_16 : memref<1x128xi32, #tpu.memory_space<vmem>> -> memref<128xi32, #tpu.memory_space<vmem>>
      %dma_start3A_18 = arith.constant 0 : i32
      %dma_start3A_19 = arith.constant 0 : i32
      %dma_start3A_20 = tpu.memref_slice %arg2[%dma_start3A_18, %dma_start3A_19] : memref<32768x16xf32, #tpu.memory_space<hbm>> -> memref<32768x16xf32, #tpu.memory_space<hbm>>
      tpu.enqueue_indirect_dma source(%dma_start3A_20 : memref<32768x16xf32, #tpu.memory_space<hbm>>) target(%dma_start3A_14 : memref<128x16xf32, #tpu.memory_space<vmem>>) offsets(%dma_start3A_17 : memref<128xi32, #tpu.memory_space<vmem>>) semaphore(%arg7 : memref<!tpu.dma_semaphore, #tpu.memory_space<semaphore_mem>>)
      %dma_start3A_21 = arith.constant 1 : i32
      %dma_start3A_22 = arith.constant 128 : i32
      %dma_start3A_23 = arith.constant 0 : i32
      %dma_start3A_24 = tpu.memref_slice %arg6[%dma_start3A_22, %dma_start3A_23] : memref<896x16xf32, #tpu.memory_space<vmem>> -> memref<128x16xf32, #tpu.memory_space<vmem>>
      %dma_start3A_25 = arith.constant 0 : i32
      %dma_start3A_26 = tpu.memref_slice %arg5[%dma_start3A_21, %dma_start3A_25] : memref<7x128xi32, #tpu.memory_space<vmem>> -> memref<1x128xi32, #tpu.memory_space<vmem>>
      %dma_start3A_27 = tpu.memref_squeeze %dma_start3A_26 : memref<1x128xi32, #tpu.memory_space<vmem>> -> memref<128xi32, #tpu.memory_space<vmem>>
      %dma_start3A_28 = arith.constant 0 : i32
      %dma_start3A_29 = arith.constant 0 : i32
      %dma_start3A_30 = tpu.memref_slice %arg2[%dma_start3A_28, %dma_start3A_29] : memref<32768x16xf32, #tpu.memory_space<hbm>> -> memref<32768x16xf32, #tpu.memory_space<hbm>>
      tpu.enqueue_indirect_dma source(%dma_start3A_30 : memref<32768x16xf32, #tpu.memory_space<hbm>>) target(%dma_start3A_24 : memref<128x16xf32, #tpu.memory_space<vmem>>) offsets(%dma_start3A_27 : memref<128xi32, #tpu.memory_space<vmem>>) semaphore(%arg7 : memref<!tpu.dma_semaphore, #tpu.memory_space<semaphore_mem>>)
      %dma_start3A_31 = arith.constant 2 : i32
      %dma_start3A_32 = arith.constant 256 : i32
      %dma_start3A_33 = arith.constant 0 : i32
      %dma_start3A_34 = tpu.memref_slice %arg6[%dma_start3A_32, %dma_start3A_33] : memref<896x16xf32, #tpu.memory_space<vmem>> -> memref<128x16xf32, #tpu.memory_space<vmem>>
      %dma_start3A_35 = arith.constant 0 : i32
      %dma_start3A_36 = tpu.memref_slice %arg5[%dma_start3A_31, %dma_start3A_35] : memref<7x128xi32, #tpu.memory_space<vmem>> -> memref<1x128xi32, #tpu.memory_space<vmem>>
      %dma_start3A_37 = tpu.memref_squeeze %dma_start3A_36 : memref<1x128xi32, #tpu.memory_space<vmem>> -> memref<128xi32, #tpu.memory_space<vmem>>
      %dma_start3A_38 = arith.constant 0 : i32
      %dma_start3A_39 = arith.constant 0 : i32
      %dma_start3A_40 = tpu.memref_slice %arg2[%dma_start3A_38, %dma_start3A_39] : memref<32768x16xf32, #tpu.memory_space<hbm>> -> memref<32768x16xf32, #tpu.memory_space<hbm>>
      tpu.enqueue_indirect_dma source(%dma_start3A_40 : memref<32768x16xf32, #tpu.memory_space<hbm>>) target(%dma_start3A_34 : memref<128x16xf32, #tpu.memory_space<vmem>>) offsets(%dma_start3A_37 : memref<128xi32, #tpu.memory_space<vmem>>) semaphore(%arg7 : memref<!tpu.dma_semaphore, #tpu.memory_space<semaphore_mem>>)
      %dma_start3A_41 = arith.constant 3 : i32
      %dma_start3A_42 = arith.constant 384 : i32
      %dma_start3A_43 = arith.constant 0 : i32
      %dma_start3A_44 = tpu.memref_slice %arg6[%dma_start3A_42, %dma_start3A_43] : memref<896x16xf32, #tpu.memory_space<vmem>> -> memref<128x16xf32, #tpu.memory_space<vmem>>
      %dma_start3A_45 = arith.constant 0 : i32
      %dma_start3A_46 = tpu.memref_slice %arg5[%dma_start3A_41, %dma_start3A_45] : memref<7x128xi32, #tpu.memory_space<vmem>> -> memref<1x128xi32, #tpu.memory_space<vmem>>
      %dma_start3A_47 = tpu.memref_squeeze %dma_start3A_46 : memref<1x128xi32, #tpu.memory_space<vmem>> -> memref<128xi32, #tpu.memory_space<vmem>>
      %dma_start3A_48 = arith.constant 0 : i32
      %dma_start3A_49 = arith.constant 0 : i32
      %dma_start3A_50 = tpu.memref_slice %arg2[%dma_start3A_48, %dma_start3A_49] : memref<32768x16xf32, #tpu.memory_space<hbm>> -> memref<32768x16xf32, #tpu.memory_space<hbm>>
      tpu.enqueue_indirect_dma source(%dma_start3A_50 : memref<32768x16xf32, #tpu.memory_space<hbm>>) target(%dma_start3A_44 : memref<128x16xf32, #tpu.memory_space<vmem>>) offsets(%dma_start3A_47 : memref<128xi32, #tpu.memory_space<vmem>>) semaphore(%arg7 : memref<!tpu.dma_semaphore, #tpu.memory_space<semaphore_mem>>)
      %dma_start3A_51 = arith.constant 4 : i32
      %dma_start3A_52 = arith.constant 512 : i32
      %dma_start3A_53 = arith.constant 0 : i32
      %dma_start3A_54 = tpu.memref_slice %arg6[%dma_start3A_52, %dma_start3A_53] : memref<896x16xf32, #tpu.memory_space<vmem>> -> memref<128x16xf32, #tpu.memory_space<vmem>>
      %dma_start3A_55 = arith.constant 0 : i32
      %dma_start3A_56 = tpu.memref_slice %arg5[%dma_start3A_51, %dma_start3A_55] : memref<7x128xi32, #tpu.memory_space<vmem>> -> memref<1x128xi32, #tpu.memory_space<vmem>>
      %dma_start3A_57 = tpu.memref_squeeze %dma_start3A_56 : memref<1x128xi32, #tpu.memory_space<vmem>> -> memref<128xi32, #tpu.memory_space<vmem>>
      %dma_start3A_58 = arith.constant 0 : i32
      %dma_start3A_59 = arith.constant 0 : i32
      %dma_start3A_60 = tpu.memref_slice %arg2[%dma_start3A_58, %dma_start3A_59] : memref<32768x16xf32, #tpu.memory_space<hbm>> -> memref<32768x16xf32, #tpu.memory_space<hbm>>
      tpu.enqueue_indirect_dma source(%dma_start3A_60 : memref<32768x16xf32, #tpu.memory_space<hbm>>) target(%dma_start3A_54 : memref<128x16xf32, #tpu.memory_space<vmem>>) offsets(%dma_start3A_57 : memref<128xi32, #tpu.memory_space<vmem>>) semaphore(%arg7 : memref<!tpu.dma_semaphore, #tpu.memory_space<semaphore_mem>>)
      %dma_start3A_61 = arith.constant 5 : i32
      %dma_start3A_62 = arith.constant 640 : i32
      %dma_start3A_63 = arith.constant 0 : i32
      %dma_start3A_64 = tpu.memref_slice %arg6[%dma_start3A_62, %dma_start3A_63] : memref<896x16xf32, #tpu.memory_space<vmem>> -> memref<128x16xf32, #tpu.memory_space<vmem>>
      %dma_start3A_65 = arith.constant 0 : i32
      %dma_start3A_66 = tpu.memref_slice %arg5[%dma_start3A_61, %dma_start3A_65] : memref<7x128xi32, #tpu.memory_space<vmem>> -> memref<1x128xi32, #tpu.memory_space<vmem>>
      %dma_start3A_67 = tpu.memref_squeeze %dma_start3A_66 : memref<1x128xi32, #tpu.memory_space<vmem>> -> memref<128xi32, #tpu.memory_space<vmem>>
      %dma_start3A_68 = arith.constant 0 : i32
      %dma_start3A_69 = arith.constant 0 : i32
      %dma_start3A_70 = tpu.memref_slice %arg2[%dma_start3A_68, %dma_start3A_69] : memref<32768x16xf32, #tpu.memory_space<hbm>> -> memref<32768x16xf32, #tpu.memory_space<hbm>>
      tpu.enqueue_indirect_dma source(%dma_start3A_70 : memref<32768x16xf32, #tpu.memory_space<hbm>>) target(%dma_start3A_64 : memref<128x16xf32, #tpu.memory_space<vmem>>) offsets(%dma_start3A_67 : memref<128xi32, #tpu.memory_space<vmem>>) semaphore(%arg7 : memref<!tpu.dma_semaphore, #tpu.memory_space<semaphore_mem>>)
      %dma_start3A_71 = arith.constant 6 : i32
      %dma_start3A_72 = arith.constant 768 : i32
      %dma_start3A_73 = arith.constant 0 : i32
      %dma_start3A_74 = tpu.memref_slice %arg6[%dma_start3A_72, %dma_start3A_73] : memref<896x16xf32, #tpu.memory_space<vmem>> -> memref<128x16xf32, #tpu.memory_space<vmem>>
      %dma_start3A_75 = arith.constant 0 : i32
      %dma_start3A_76 = tpu.memref_slice %arg5[%dma_start3A_71, %dma_start3A_75] : memref<7x128xi32, #tpu.memory_space<vmem>> -> memref<1x128xi32, #tpu.memory_space<vmem>>
      %dma_start3A_77 = tpu.memref_squeeze %dma_start3A_76 : memref<1x128xi32, #tpu.memory_space<vmem>> -> memref<128xi32, #tpu.memory_space<vmem>>
      %dma_start3A_78 = arith.constant 0 : i32
      %dma_start3A_79 = arith.constant 0 : i32
      %dma_start3A_80 = tpu.memref_slice %arg2[%dma_start3A_78, %dma_start3A_79] : memref<32768x16xf32, #tpu.memory_space<hbm>> -> memref<32768x16xf32, #tpu.memory_space<hbm>>
      tpu.enqueue_indirect_dma source(%dma_start3A_80 : memref<32768x16xf32, #tpu.memory_space<hbm>>) target(%dma_start3A_74 : memref<128x16xf32, #tpu.memory_space<vmem>>) offsets(%dma_start3A_77 : memref<128xi32, #tpu.memory_space<vmem>>) semaphore(%arg7 : memref<!tpu.dma_semaphore, #tpu.memory_space<semaphore_mem>>)
      %dma_wait3A = arith.constant 0 : i32
      %dma_wait3A_81 = arith.constant 0 : i32
      %dma_wait3A_82 = arith.constant 0 : i32
      %dma_wait3A_83 = tpu.memref_slice %arg6[%dma_wait3A_81, %dma_wait3A_82] : memref<896x16xf32, #tpu.memory_space<vmem>> -> memref<128x16xf32, #tpu.memory_space<vmem>>
      %dma_wait3A_84 = arith.constant 0 : i32
      %dma_wait3A_85 = tpu.memref_slice %arg5[%dma_wait3A, %dma_wait3A_84] : memref<7x128xi32, #tpu.memory_space<vmem>> -> memref<1x128xi32, #tpu.memory_space<vmem>>
      %dma_wait3A_86 = tpu.memref_squeeze %dma_wait3A_85 : memref<1x128xi32, #tpu.memory_space<vmem>> -> memref<128xi32, #tpu.memory_space<vmem>>
      %dma_wait3A_87 = arith.constant 0 : i32
      %dma_wait3A_88 = arith.constant 0 : i32
      %dma_wait3A_89 = tpu.memref_slice %arg2[%dma_wait3A_87, %dma_wait3A_88] : memref<32768x16xf32, #tpu.memory_space<hbm>> -> memref<32768x16xf32, #tpu.memory_space<hbm>>
      tpu.wait_indirect_dma semaphore(%arg7 : memref<!tpu.dma_semaphore, #tpu.memory_space<semaphore_mem>>) src(%dma_wait3A_89 : memref<32768x16xf32, #tpu.memory_space<hbm>>) dst(%dma_wait3A_83 : memref<128x16xf32, #tpu.memory_space<vmem>>)
      %dma_wait3A_90 = arith.constant 1 : i32
      %dma_wait3A_91 = arith.constant 128 : i32
      %dma_wait3A_92 = arith.constant 0 : i32
      %dma_wait3A_93 = tpu.memref_slice %arg6[%dma_wait3A_91, %dma_wait3A_92] : memref<896x16xf32, #tpu.memory_space<vmem>> -> memref<128x16xf32, #tpu.memory_space<vmem>>
      %dma_wait3A_94 = arith.constant 0 : i32
      %dma_wait3A_95 = tpu.memref_slice %arg5[%dma_wait3A_90, %dma_wait3A_94] : memref<7x128xi32, #tpu.memory_space<vmem>> -> memref<1x128xi32, #tpu.memory_space<vmem>>
      %dma_wait3A_96 = tpu.memref_squeeze %dma_wait3A_95 : memref<1x128xi32, #tpu.memory_space<vmem>> -> memref<128xi32, #tpu.memory_space<vmem>>
      %dma_wait3A_97 = arith.constant 0 : i32
      %dma_wait3A_98 = arith.constant 0 : i32
      %dma_wait3A_99 = tpu.memref_slice %arg2[%dma_wait3A_97, %dma_wait3A_98] : memref<32768x16xf32, #tpu.memory_space<hbm>> -> memref<32768x16xf32, #tpu.memory_space<hbm>>
      tpu.wait_indirect_dma semaphore(%arg7 : memref<!tpu.dma_semaphore, #tpu.memory_space<semaphore_mem>>) src(%dma_wait3A_99 : memref<32768x16xf32, #tpu.memory_space<hbm>>) dst(%dma_wait3A_93 : memref<128x16xf32, #tpu.memory_space<vmem>>)
      %dma_wait3A_100 = arith.constant 2 : i32
      %dma_wait3A_101 = arith.constant 256 : i32
      %dma_wait3A_102 = arith.constant 0 : i32
      %dma_wait3A_103 = tpu.memref_slice %arg6[%dma_wait3A_101, %dma_wait3A_102] : memref<896x16xf32, #tpu.memory_space<vmem>> -> memref<128x16xf32, #tpu.memory_space<vmem>>
      %dma_wait3A_104 = arith.constant 0 : i32
      %dma_wait3A_105 = tpu.memref_slice %arg5[%dma_wait3A_100, %dma_wait3A_104] : memref<7x128xi32, #tpu.memory_space<vmem>> -> memref<1x128xi32, #tpu.memory_space<vmem>>
      %dma_wait3A_106 = tpu.memref_squeeze %dma_wait3A_105 : memref<1x128xi32, #tpu.memory_space<vmem>> -> memref<128xi32, #tpu.memory_space<vmem>>
      %dma_wait3A_107 = arith.constant 0 : i32
      %dma_wait3A_108 = arith.constant 0 : i32
      %dma_wait3A_109 = tpu.memref_slice %arg2[%dma_wait3A_107, %dma_wait3A_108] : memref<32768x16xf32, #tpu.memory_space<hbm>> -> memref<32768x16xf32, #tpu.memory_space<hbm>>
      tpu.wait_indirect_dma semaphore(%arg7 : memref<!tpu.dma_semaphore, #tpu.memory_space<semaphore_mem>>) src(%dma_wait3A_109 : memref<32768x16xf32, #tpu.memory_space<hbm>>) dst(%dma_wait3A_103 : memref<128x16xf32, #tpu.memory_space<vmem>>)
      %dma_wait3A_110 = arith.constant 3 : i32
      %dma_wait3A_111 = arith.constant 384 : i32
      %dma_wait3A_112 = arith.constant 0 : i32
      %dma_wait3A_113 = tpu.memref_slice %arg6[%dma_wait3A_111, %dma_wait3A_112] : memref<896x16xf32, #tpu.memory_space<vmem>> -> memref<128x16xf32, #tpu.memory_space<vmem>>
      %dma_wait3A_114 = arith.constant 0 : i32
      %dma_wait3A_115 = tpu.memref_slice %arg5[%dma_wait3A_110, %dma_wait3A_114] : memref<7x128xi32, #tpu.memory_space<vmem>> -> memref<1x128xi32, #tpu.memory_space<vmem>>
      %dma_wait3A_116 = tpu.memref_squeeze %dma_wait3A_115 : memref<1x128xi32, #tpu.memory_space<vmem>> -> memref<128xi32, #tpu.memory_space<vmem>>
      %dma_wait3A_117 = arith.constant 0 : i32
      %dma_wait3A_118 = arith.constant 0 : i32
      %dma_wait3A_119 = tpu.memref_slice %arg2[%dma_wait3A_117, %dma_wait3A_118] : memref<32768x16xf32, #tpu.memory_space<hbm>> -> memref<32768x16xf32, #tpu.memory_space<hbm>>
      tpu.wait_indirect_dma semaphore(%arg7 : memref<!tpu.dma_semaphore, #tpu.memory_space<semaphore_mem>>) src(%dma_wait3A_119 : memref<32768x16xf32, #tpu.memory_space<hbm>>) dst(%dma_wait3A_113 : memref<128x16xf32, #tpu.memory_space<vmem>>)
      %dma_wait3A_120 = arith.constant 4 : i32
      %dma_wait3A_121 = arith.constant 512 : i32
      %dma_wait3A_122 = arith.constant 0 : i32
      %dma_wait3A_123 = tpu.memref_slice %arg6[%dma_wait3A_121, %dma_wait3A_122] : memref<896x16xf32, #tpu.memory_space<vmem>> -> memref<128x16xf32, #tpu.memory_space<vmem>>
      %dma_wait3A_124 = arith.constant 0 : i32
      %dma_wait3A_125 = tpu.memref_slice %arg5[%dma_wait3A_120, %dma_wait3A_124] : memref<7x128xi32, #tpu.memory_space<vmem>> -> memref<1x128xi32, #tpu.memory_space<vmem>>
      %dma_wait3A_126 = tpu.memref_squeeze %dma_wait3A_125 : memref<1x128xi32, #tpu.memory_space<vmem>> -> memref<128xi32, #tpu.memory_space<vmem>>
      %dma_wait3A_127 = arith.constant 0 : i32
      %dma_wait3A_128 = arith.constant 0 : i32
      %dma_wait3A_129 = tpu.memref_slice %arg2[%dma_wait3A_127, %dma_wait3A_128] : memref<32768x16xf32, #tpu.memory_space<hbm>> -> memref<32768x16xf32, #tpu.memory_space<hbm>>
      tpu.wait_indirect_dma semaphore(%arg7 : memref<!tpu.dma_semaphore, #tpu.memory_space<semaphore_mem>>) src(%dma_wait3A_129 : memref<32768x16xf32, #tpu.memory_space<hbm>>) dst(%dma_wait3A_123 : memref<128x16xf32, #tpu.memory_space<vmem>>)
      %dma_wait3A_130 = arith.constant 5 : i32
      %dma_wait3A_131 = arith.constant 640 : i32
      %dma_wait3A_132 = arith.constant 0 : i32
      %dma_wait3A_133 = tpu.memref_slice %arg6[%dma_wait3A_131, %dma_wait3A_132] : memref<896x16xf32, #tpu.memory_space<vmem>> -> memref<128x16xf32, #tpu.memory_space<vmem>>
      %dma_wait3A_134 = arith.constant 0 : i32
      %dma_wait3A_135 = tpu.memref_slice %arg5[%dma_wait3A_130, %dma_wait3A_134] : memref<7x128xi32, #tpu.memory_space<vmem>> -> memref<1x128xi32, #tpu.memory_space<vmem>>
      %dma_wait3A_136 = tpu.memref_squeeze %dma_wait3A_135 : memref<1x128xi32, #tpu.memory_space<vmem>> -> memref<128xi32, #tpu.memory_space<vmem>>
      %dma_wait3A_137 = arith.constant 0 : i32
      %dma_wait3A_138 = arith.constant 0 : i32
      %dma_wait3A_139 = tpu.memref_slice %arg2[%dma_wait3A_137, %dma_wait3A_138] : memref<32768x16xf32, #tpu.memory_space<hbm>> -> memref<32768x16xf32, #tpu.memory_space<hbm>>
      tpu.wait_indirect_dma semaphore(%arg7 : memref<!tpu.dma_semaphore, #tpu.memory_space<semaphore_mem>>) src(%dma_wait3A_139 : memref<32768x16xf32, #tpu.memory_space<hbm>>) dst(%dma_wait3A_133 : memref<128x16xf32, #tpu.memory_space<vmem>>)
      %dma_wait3A_140 = arith.constant 6 : i32
      %dma_wait3A_141 = arith.constant 768 : i32
      %dma_wait3A_142 = arith.constant 0 : i32
      %dma_wait3A_143 = tpu.memref_slice %arg6[%dma_wait3A_141, %dma_wait3A_142] : memref<896x16xf32, #tpu.memory_space<vmem>> -> memref<128x16xf32, #tpu.memory_space<vmem>>
      %dma_wait3A_144 = arith.constant 0 : i32
      %dma_wait3A_145 = tpu.memref_slice %arg5[%dma_wait3A_140, %dma_wait3A_144] : memref<7x128xi32, #tpu.memory_space<vmem>> -> memref<1x128xi32, #tpu.memory_space<vmem>>
      %dma_wait3A_146 = tpu.memref_squeeze %dma_wait3A_145 : memref<1x128xi32, #tpu.memory_space<vmem>> -> memref<128xi32, #tpu.memory_space<vmem>>
      %dma_wait3A_147 = arith.constant 0 : i32
      %dma_wait3A_148 = arith.constant 0 : i32
      %dma_wait3A_149 = tpu.memref_slice %arg2[%dma_wait3A_147, %dma_wait3A_148] : memref<32768x16xf32, #tpu.memory_space<hbm>> -> memref<32768x16xf32, #tpu.memory_space<hbm>>
      tpu.wait_indirect_dma semaphore(%arg7 : memref<!tpu.dma_semaphore, #tpu.memory_space<semaphore_mem>>) src(%dma_wait3A_149 : memref<32768x16xf32, #tpu.memory_space<hbm>>) dst(%dma_wait3A_143 : memref<128x16xf32, #tpu.memory_space<vmem>>)
      %mul3A_150 = arith.constant 128 : i32
      %mul3A_151 = arith.muli %mul3A_11, %mul3A_150 : i32
      "tpu.region"() ({
        %run_scoped3A = tpu.sem_alloc : memref<!tpu.dma_semaphore, #tpu.memory_space<semaphore_mem>>
        %dma_start3A_152 = arith.constant 0 : i32
        %dma_start3A_153 = tpu.memref_slice %arg4[%mul3A_151, %dma_start3A_152] : memref<401408x16xf32, #tpu.memory_space<hbm>> -> memref<896x16xf32, #tpu.memory_space<hbm>>
        %dma_start3A_154 = arith.constant 0 : i32
        %dma_start3A_155 = tpu.memref_slice %arg4[%mul3A_151, %dma_start3A_154] : memref<401408x16xf32, #tpu.memory_space<hbm>> -> memref<896x16xf32, #tpu.memory_space<hbm>>
        tpu.enqueue_dma source(%arg6 : memref<896x16xf32, #tpu.memory_space<vmem>>) target(%dma_start3A_155 : memref<896x16xf32, #tpu.memory_space<hbm>>) target_semaphore(%run_scoped3A : memref<!tpu.dma_semaphore, #tpu.memory_space<semaphore_mem>>)
        %dma_wait3A_156 = arith.constant 0 : i32
        %dma_wait3A_157 = tpu.memref_slice %arg4[%mul3A_151, %dma_wait3A_156] : memref<401408x16xf32, #tpu.memory_space<hbm>> -> memref<896x16xf32, #tpu.memory_space<hbm>>
        %dma_wait3A_158 = arith.constant 0 : i32
        %dma_wait3A_159 = tpu.memref_slice %arg4[%mul3A_151, %dma_wait3A_158] : memref<401408x16xf32, #tpu.memory_space<hbm>> -> memref<896x16xf32, #tpu.memory_space<hbm>>
        tpu.wait_dma2 semaphore(%run_scoped3A : memref<!tpu.dma_semaphore, #tpu.memory_space<semaphore_mem>>) src(%arg6 : memref<896x16xf32, #tpu.memory_space<vmem>>) dst(%dma_wait3A_159 : memref<896x16xf32, #tpu.memory_space<hbm>>)
        tpu.yield
      }) : () -> ()
    }
    %scan3A_5 = arith.constant 14 : i32
    return
  }
}

module attributes {stable_mosaic.version = 14 : i64} {
  func.func @_sel_body(%arg0: i32, %arg1: memref<3x512xf32, #tpu.memory_space<vmem>>, %arg2: memref<128x1xi32, #tpu.memory_space<vmem>>, %arg3: memref<128x1xi32, #tpu.memory_space<vmem>>, %arg4: memref<128x1xi32, #tpu.memory_space<vmem>>, %arg5: memref<128x1xf32, #tpu.memory_space<vmem>>, %arg6: memref<16x512xi32, #tpu.memory_space<vmem>>) attributes {dimension_semantics = [#tpu.dimension_semantics<arbitrary>], iteration_bounds = array<i64: 49>, scalar_prefetch = 0 : i64, scratch_operands = 0 : i64, tpu.core_type = #tpu.core_type<tc>, window_params = [{transform_indices = @transform_0, window_bounds = array<i64: 3, 512>}, {pipeline_mode = #tpu.pipeline_mode<synchronous>, transform_indices = @transform_1, window_bounds = array<i64: 128, 1>}, {pipeline_mode = #tpu.pipeline_mode<synchronous>, transform_indices = @transform_2, window_bounds = array<i64: 128, 1>}, {pipeline_mode = #tpu.pipeline_mode<synchronous>, transform_indices = @transform_3, window_bounds = array<i64: 128, 1>}, {pipeline_mode = #tpu.pipeline_mode<synchronous>, transform_indices = @transform_4, window_bounds = array<i64: 128, 1>}, {transform_indices = @transform_5, window_bounds = array<i64: 16, 512>}]} {
    %get3A = arith.constant 0 : index
    %get3A_0 = arith.constant 0 : index
    %get3A_1 = vector.load %arg1[%get3A, %get3A_0] : memref<3x512xf32, #tpu.memory_space<vmem>>, vector<1x512xf32>
    %mul3A = arith.constant 1.600000e+01 : f32
    %mul3A_2 = vector.broadcast %mul3A : f32 to vector<1x512xf32>
    %mul3A_3 = arith.mulf %get3A_1, %mul3A_2 : vector<1x512xf32>
    %get3A_4 = arith.constant 1 : index
    %get3A_5 = arith.constant 0 : index
    %get3A_6 = vector.load %arg1[%get3A_4, %get3A_5] : memref<3x512xf32, #tpu.memory_space<vmem>>, vector<1x512xf32>
    %mul3A_7 = arith.constant 1.600000e+01 : f32
    %mul3A_8 = vector.broadcast %mul3A_7 : f32 to vector<1x512xf32>
    %mul3A_9 = arith.mulf %get3A_6, %mul3A_8 : vector<1x512xf32>
    %get3A_10 = arith.constant 2 : index
    %get3A_11 = arith.constant 0 : index
    %get3A_12 = vector.load %arg1[%get3A_10, %get3A_11] : memref<3x512xf32, #tpu.memory_space<vmem>>, vector<1x512xf32>
    %mul3A_13 = arith.constant 1.600000e+01 : f32
    %mul3A_14 = vector.broadcast %mul3A_13 : f32 to vector<1x512xf32>
    %mul3A_15 = arith.mulf %get3A_12, %mul3A_14 : vector<1x512xf32>
    %mul3A_16 = arith.mulf %mul3A_3, %mul3A_3 : vector<1x512xf32>
    %mul3A_17 = arith.mulf %mul3A_9, %mul3A_9 : vector<1x512xf32>
    %add3A = arith.addf %mul3A_16, %mul3A_17 : vector<1x512xf32>
    %mul3A_18 = arith.mulf %mul3A_15, %mul3A_15 : vector<1x512xf32>
    %add3A_19 = arith.addf %add3A, %mul3A_18 : vector<1x512xf32>
    %add3A_20 = arith.constant 1.550000e+01 : f32
    %add3A_21 = vector.broadcast %add3A_20 : f32 to vector<1x512xf32>
    %add3A_22 = arith.addf %mul3A_3, %add3A_21 : vector<1x512xf32>
    %floor3A = math.floor %add3A_22 : vector<1x512xf32>
    %convert_element_type3A = arith.fptosi %floor3A : vector<1x512xf32> to vector<1x512xi32>
    %sub3A = arith.constant 2 : i32
    %sub3A_23 = vector.broadcast %sub3A : i32 to vector<1x512xi32>
    %sub3A_24 = arith.subi %convert_element_type3A, %sub3A_23 : vector<1x512xi32>
    %jit3A = arith.constant 0 : i32
    %jit3A_25 = arith.constant 27 : i32
    %max3A = vector.broadcast %jit3A : i32 to vector<1x512xi32>
    %max3A_26 = arith.maxsi %max3A, %sub3A_24 : vector<1x512xi32>
    %min3A = vector.broadcast %jit3A_25 : i32 to vector<1x512xi32>
    %min3A_27 = arith.minsi %min3A, %max3A_26 : vector<1x512xi32>
    %get3A_28 = arith.constant 0 : index
    %get3A_29 = arith.constant 0 : index
    %get3A_30 = vector.load %arg2[%get3A_28, %get3A_29] : memref<128x1xi32, #tpu.memory_space<vmem>>, vector<128x1xi32>
    %add3A_31 = vector.broadcast %min3A_27 : vector<1x512xi32> to vector<128x512xi32>
    %add3A_32 = vector.broadcast %get3A_30 : vector<128x1xi32> to vector<128x512xi32>
    %add3A_33 = arith.addi %add3A_31, %add3A_32 : vector<128x512xi32>
    %convert_element_type3A_34 = arith.sitofp %add3A_33 : vector<128x512xi32> to vector<128x512xf32>
    %sub3A_35 = arith.constant 1.550000e+01 : f32
    %sub3A_36 = vector.broadcast %sub3A_35 : f32 to vector<128x512xf32>
    %sub3A_37 = arith.subf %convert_element_type3A_34, %sub3A_36 : vector<128x512xf32>
    %convert_element_type3A_38 = arith.truncf %mul3A_3 : vector<1x512xf32> to vector<1x512xbf16>
    %convert_element_type3A_39 = arith.extf %convert_element_type3A_38 : vector<1x512xbf16> to vector<1x512xf32>
    %mul3A_40 = vector.broadcast %convert_element_type3A_39 : vector<1x512xf32> to vector<128x512xf32>
    %mul3A_41 = arith.mulf %mul3A_40, %sub3A_37 : vector<128x512xf32>
    %add3A_42 = arith.constant 1.550000e+01 : f32
    %add3A_43 = vector.broadcast %add3A_42 : f32 to vector<1x512xf32>
    %add3A_44 = arith.addf %mul3A_9, %add3A_43 : vector<1x512xf32>
    %floor3A_45 = math.floor %add3A_44 : vector<1x512xf32>
    %convert_element_type3A_46 = arith.fptosi %floor3A_45 : vector<1x512xf32> to vector<1x512xi32>
    %sub3A_47 = arith.constant 2 : i32
    %sub3A_48 = vector.broadcast %sub3A_47 : i32 to vector<1x512xi32>
    %sub3A_49 = arith.subi %convert_element_type3A_46, %sub3A_48 : vector<1x512xi32>
    %jit3A_50 = arith.constant 0 : i32
    %jit3A_51 = arith.constant 27 : i32
    %max3A_52 = vector.broadcast %jit3A_50 : i32 to vector<1x512xi32>
    %max3A_53 = arith.maxsi %max3A_52, %sub3A_49 : vector<1x512xi32>
    %min3A_54 = vector.broadcast %jit3A_51 : i32 to vector<1x512xi32>
    %min3A_55 = arith.minsi %min3A_54, %max3A_53 : vector<1x512xi32>
    %get3A_56 = arith.constant 0 : index
    %get3A_57 = arith.constant 0 : index
    %get3A_58 = vector.load %arg3[%get3A_56, %get3A_57] : memref<128x1xi32, #tpu.memory_space<vmem>>, vector<128x1xi32>
    %add3A_59 = vector.broadcast %min3A_55 : vector<1x512xi32> to vector<128x512xi32>
    %add3A_60 = vector.broadcast %get3A_58 : vector<128x1xi32> to vector<128x512xi32>
    %add3A_61 = arith.addi %add3A_59, %add3A_60 : vector<128x512xi32>
    %convert_element_type3A_62 = arith.sitofp %add3A_61 : vector<128x512xi32> to vector<128x512xf32>
    %sub3A_63 = arith.constant 1.550000e+01 : f32
    %sub3A_64 = vector.broadcast %sub3A_63 : f32 to vector<128x512xf32>
    %sub3A_65 = arith.subf %convert_element_type3A_62, %sub3A_64 : vector<128x512xf32>
    %convert_element_type3A_66 = arith.truncf %mul3A_9 : vector<1x512xf32> to vector<1x512xbf16>
    %convert_element_type3A_67 = arith.extf %convert_element_type3A_66 : vector<1x512xbf16> to vector<1x512xf32>
    %mul3A_68 = vector.broadcast %convert_element_type3A_67 : vector<1x512xf32> to vector<128x512xf32>
    %mul3A_69 = arith.mulf %mul3A_68, %sub3A_65 : vector<128x512xf32>
    %add3A_70 = arith.constant 1.550000e+01 : f32
    %add3A_71 = vector.broadcast %add3A_70 : f32 to vector<1x512xf32>
    %add3A_72 = arith.addf %mul3A_15, %add3A_71 : vector<1x512xf32>
    %floor3A_73 = math.floor %add3A_72 : vector<1x512xf32>
    %convert_element_type3A_74 = arith.fptosi %floor3A_73 : vector<1x512xf32> to vector<1x512xi32>
    %sub3A_75 = arith.constant 2 : i32
    %sub3A_76 = vector.broadcast %sub3A_75 : i32 to vector<1x512xi32>
    %sub3A_77 = arith.subi %convert_element_type3A_74, %sub3A_76 : vector<1x512xi32>
    %jit3A_78 = arith.constant 0 : i32
    %jit3A_79 = arith.constant 27 : i32
    %max3A_80 = vector.broadcast %jit3A_78 : i32 to vector<1x512xi32>
    %max3A_81 = arith.maxsi %max3A_80, %sub3A_77 : vector<1x512xi32>
    %min3A_82 = vector.broadcast %jit3A_79 : i32 to vector<1x512xi32>
    %min3A_83 = arith.minsi %min3A_82, %max3A_81 : vector<1x512xi32>
    %get3A_84 = arith.constant 0 : index
    %get3A_85 = arith.constant 0 : index
    %get3A_86 = vector.load %arg4[%get3A_84, %get3A_85] : memref<128x1xi32, #tpu.memory_space<vmem>>, vector<128x1xi32>
    %add3A_87 = vector.broadcast %min3A_83 : vector<1x512xi32> to vector<128x512xi32>
    %add3A_88 = vector.broadcast %get3A_86 : vector<128x1xi32> to vector<128x512xi32>
    %add3A_89 = arith.addi %add3A_87, %add3A_88 : vector<128x512xi32>
    %convert_element_type3A_90 = arith.sitofp %add3A_89 : vector<128x512xi32> to vector<128x512xf32>
    %sub3A_91 = arith.constant 1.550000e+01 : f32
    %sub3A_92 = vector.broadcast %sub3A_91 : f32 to vector<128x512xf32>
    %sub3A_93 = arith.subf %convert_element_type3A_90, %sub3A_92 : vector<128x512xf32>
    %convert_element_type3A_94 = arith.truncf %mul3A_15 : vector<1x512xf32> to vector<1x512xbf16>
    %convert_element_type3A_95 = arith.extf %convert_element_type3A_94 : vector<1x512xbf16> to vector<1x512xf32>
    %mul3A_96 = vector.broadcast %convert_element_type3A_95 : vector<1x512xf32> to vector<128x512xf32>
    %mul3A_97 = arith.mulf %mul3A_96, %sub3A_93 : vector<128x512xf32>
    %add3A_98 = arith.addf %mul3A_41, %mul3A_69 : vector<128x512xf32>
    %add3A_99 = arith.addf %add3A_98, %mul3A_97 : vector<128x512xf32>
    %mul3A_100 = arith.mulf %sub3A_37, %sub3A_37 : vector<128x512xf32>
    %mul3A_101 = arith.mulf %sub3A_65, %sub3A_65 : vector<128x512xf32>
    %add3A_102 = arith.addf %mul3A_100, %mul3A_101 : vector<128x512xf32>
    %mul3A_103 = arith.mulf %sub3A_93, %sub3A_93 : vector<128x512xf32>
    %add3A_104 = arith.addf %add3A_102, %mul3A_103 : vector<128x512xf32>
    %mul3A_105 = arith.constant 2.000000e+00 : f32
    %mul3A_106 = vector.broadcast %mul3A_105 : f32 to vector<128x512xf32>
    %mul3A_107 = arith.mulf %mul3A_106, %add3A_99 : vector<128x512xf32>
    %sub3A_108 = vector.broadcast %add3A_19 : vector<1x512xf32> to vector<128x512xf32>
    %sub3A_109 = arith.subf %sub3A_108, %mul3A_107 : vector<128x512xf32>
    %add3A_110 = arith.addf %sub3A_109, %add3A_104 : vector<128x512xf32>
    %get3A_111 = arith.constant 0 : index
    %get3A_112 = arith.constant 0 : index
    %get3A_113 = vector.load %arg5[%get3A_111, %get3A_112] : memref<128x1xf32, #tpu.memory_space<vmem>>, vector<128x1xf32>
    %add3A_114 = vector.broadcast %get3A_113 : vector<128x1xf32> to vector<128x512xf32>
    %add3A_115 = arith.addf %add3A_110, %add3A_114 : vector<128x512xf32>
    %shift_left3A = arith.constant 10 : i32
    %shift_left3A_116 = vector.broadcast %shift_left3A : i32 to vector<128x512xi32>
    %shift_left3A_117 = arith.shli %add3A_33, %shift_left3A_116 : vector<128x512xi32>
    %shift_left3A_118 = arith.constant 5 : i32
    %shift_left3A_119 = vector.broadcast %shift_left3A_118 : i32 to vector<128x512xi32>
    %shift_left3A_120 = arith.shli %add3A_61, %shift_left3A_119 : vector<128x512xi32>
    %add3A_121 = arith.addi %shift_left3A_117, %shift_left3A_120 : vector<128x512xi32>
    %add3A_122 = arith.addi %add3A_121, %add3A_89 : vector<128x512xi32>
    %iota3A = tpu.iota {dimensions = array<i32: 0>} : vector<128x512xi32>
    %reduce_min3A = arith.constant dense<0x7F800000> : vector<512xf32>
    %reduce_min3A_123 = vector.multi_reduction <minimumf>, %add3A_115, %reduce_min3A [0] : vector<128x512xf32> to vector<512xf32>
    %broadcast_in_dim3A = vector.shape_cast %reduce_min3A_123 : vector<512xf32> to vector<1x512xf32>
    %eq3A = vector.broadcast %broadcast_in_dim3A : vector<1x512xf32> to vector<128x512xf32>
    %eq3A_124 = arith.cmpf oeq, %add3A_115, %eq3A : vector<128x512xf32>
    %jit3A_125 = arith.constant 1000000 : i32
    %broadcast_in_dim3A_126 = vector.broadcast %jit3A_125 : i32 to vector<128x512xi32>
    %select_n3A = arith.select %eq3A_124, %iota3A, %broadcast_in_dim3A_126 : vector<128x512xi1>, vector<128x512xi32>
    %reduce_min3A_127 = arith.constant dense<2147483647> : vector<512xi32>
    %reduce_min3A_128 = vector.multi_reduction <minsi>, %select_n3A, %reduce_min3A_127 [0] : vector<128x512xi32> to vector<512xi32>
    %broadcast_in_dim3A_129 = vector.shape_cast %reduce_min3A_128 : vector<512xi32> to vector<1x512xi32>
    %eq3A_130 = vector.broadcast %broadcast_in_dim3A_129 : vector<1x512xi32> to vector<128x512xi32>
    %eq3A_131 = arith.cmpi eq, %iota3A, %eq3A_130 : vector<128x512xi32>
    %jit3A_132 = arith.constant 0 : i32
    %broadcast_in_dim3A_133 = vector.broadcast %jit3A_132 : i32 to vector<128x512xi32>
    %select_n3A_134 = arith.select %eq3A_131, %add3A_122, %broadcast_in_dim3A_133 : vector<128x512xi1>, vector<128x512xi32>
    %reduce_sum3A = arith.constant dense<0> : vector<512xi32>
    %reduce_sum3A_135 = vector.multi_reduction <add>, %select_n3A_134, %reduce_sum3A [0] : vector<128x512xi32> to vector<512xi32>
    %broadcast_in_dim3A_136 = vector.shape_cast %reduce_sum3A_135 : vector<512xi32> to vector<1x512xi32>
    %swap3A = arith.constant 0 : index
    %swap3A_137 = arith.constant 0 : index
    %swap3A_138 = vector.load %arg6[%swap3A, %swap3A_137] : memref<16x512xi32, #tpu.memory_space<vmem>>, vector<1x512xi32>
    tpu.vector_store %arg6[%swap3A, %swap3A_137], %broadcast_in_dim3A_136 {strides = array<i32>} : memref<16x512xi32, #tpu.memory_space<vmem>>, vector<1x512xi32>,
    %jit3A_139 = arith.constant 0x7F800000 : f32
    %broadcast_in_dim3A_140 = vector.broadcast %jit3A_139 : f32 to vector<128x512xf32>
    %select_n3A_141 = arith.select %eq3A_131, %broadcast_in_dim3A_140, %add3A_115 : vector<128x512xi1>, vector<128x512xf32>
    %reduce_min3A_142 = arith.constant dense<0x7F800000> : vector<512xf32>
    %reduce_min3A_143 = vector.multi_reduction <minimumf>, %select_n3A_141, %reduce_min3A_142 [0] : vector<128x512xf32> to vector<512xf32>
    %broadcast_in_dim3A_144 = vector.shape_cast %reduce_min3A_143 : vector<512xf32> to vector<1x512xf32>
    %eq3A_145 = vector.broadcast %broadcast_in_dim3A_144 : vector<1x512xf32> to vector<128x512xf32>
    %eq3A_146 = arith.cmpf oeq, %select_n3A_141, %eq3A_145 : vector<128x512xf32>
    %jit3A_147 = arith.constant 1000000 : i32
    %broadcast_in_dim3A_148 = vector.broadcast %jit3A_147 : i32 to vector<128x512xi32>
    %select_n3A_149 = arith.select %eq3A_146, %iota3A, %broadcast_in_dim3A_148 : vector<128x512xi1>, vector<128x512xi32>
    %reduce_min3A_150 = arith.constant dense<2147483647> : vector<512xi32>
    %reduce_min3A_151 = vector.multi_reduction <minsi>, %select_n3A_149, %reduce_min3A_150 [0] : vector<128x512xi32> to vector<512xi32>
    %broadcast_in_dim3A_152 = vector.shape_cast %reduce_min3A_151 : vector<512xi32> to vector<1x512xi32>
    %eq3A_153 = vector.broadcast %broadcast_in_dim3A_152 : vector<1x512xi32> to vector<128x512xi32>
    %eq3A_154 = arith.cmpi eq, %iota3A, %eq3A_153 : vector<128x512xi32>
    %jit3A_155 = arith.constant 0 : i32
    %broadcast_in_dim3A_156 = vector.broadcast %jit3A_155 : i32 to vector<128x512xi32>
    %select_n3A_157 = arith.select %eq3A_154, %add3A_122, %broadcast_in_dim3A_156 : vector<128x512xi1>, vector<128x512xi32>
    %reduce_sum3A_158 = arith.constant dense<0> : vector<512xi32>
    %reduce_sum3A_159 = vector.multi_reduction <add>, %select_n3A_157, %reduce_sum3A_158 [0] : vector<128x512xi32> to vector<512xi32>
    %broadcast_in_dim3A_160 = vector.shape_cast %reduce_sum3A_159 : vector<512xi32> to vector<1x512xi32>
    %swap3A_161 = arith.constant 1 : index
    %swap3A_162 = arith.constant 0 : index
    %swap3A_163 = vector.load %arg6[%swap3A_161, %swap3A_162] : memref<16x512xi32, #tpu.memory_space<vmem>>, vector<1x512xi32>
    tpu.vector_store %arg6[%swap3A_161, %swap3A_162], %broadcast_in_dim3A_160 {strides = array<i32>} : memref<16x512xi32, #tpu.memory_space<vmem>>, vector<1x512xi32>,
    %jit3A_164 = arith.constant 0x7F800000 : f32
    %broadcast_in_dim3A_165 = vector.broadcast %jit3A_164 : f32 to vector<128x512xf32>
    %select_n3A_166 = arith.select %eq3A_154, %broadcast_in_dim3A_165, %select_n3A_141 : vector<128x512xi1>, vector<128x512xf32>
    %reduce_min3A_167 = arith.constant dense<0x7F800000> : vector<512xf32>
    %reduce_min3A_168 = vector.multi_reduction <minimumf>, %select_n3A_166, %reduce_min3A_167 [0] : vector<128x512xf32> to vector<512xf32>
    %broadcast_in_dim3A_169 = vector.shape_cast %reduce_min3A_168 : vector<512xf32> to vector<1x512xf32>
    %eq3A_170 = vector.broadcast %broadcast_in_dim3A_169 : vector<1x512xf32> to vector<128x512xf32>
    %eq3A_171 = arith.cmpf oeq, %select_n3A_166, %eq3A_170 : vector<128x512xf32>
    %jit3A_172 = arith.constant 1000000 : i32
    %broadcast_in_dim3A_173 = vector.broadcast %jit3A_172 : i32 to vector<128x512xi32>
    %select_n3A_174 = arith.select %eq3A_171, %iota3A, %broadcast_in_dim3A_173 : vector<128x512xi1>, vector<128x512xi32>
    %reduce_min3A_175 = arith.constant dense<2147483647> : vector<512xi32>
    %reduce_min3A_176 = vector.multi_reduction <minsi>, %select_n3A_174, %reduce_min3A_175 [0] : vector<128x512xi32> to vector<512xi32>
    %broadcast_in_dim3A_177 = vector.shape_cast %reduce_min3A_176 : vector<512xi32> to vector<1x512xi32>
    %eq3A_178 = vector.broadcast %broadcast_in_dim3A_177 : vector<1x512xi32> to vector<128x512xi32>
    %eq3A_179 = arith.cmpi eq, %iota3A, %eq3A_178 : vector<128x512xi32>
    %jit3A_180 = arith.constant 0 : i32
    %broadcast_in_dim3A_181 = vector.broadcast %jit3A_180 : i32 to vector<128x512xi32>
    %select_n3A_182 = arith.select %eq3A_179, %add3A_122, %broadcast_in_dim3A_181 : vector<128x512xi1>, vector<128x512xi32>
    %reduce_sum3A_183 = arith.constant dense<0> : vector<512xi32>
    %reduce_sum3A_184 = vector.multi_reduction <add>, %select_n3A_182, %reduce_sum3A_183 [0] : vector<128x512xi32> to vector<512xi32>
    %broadcast_in_dim3A_185 = vector.shape_cast %reduce_sum3A_184 : vector<512xi32> to vector<1x512xi32>
    %swap3A_186 = arith.constant 2 : index
    %swap3A_187 = arith.constant 0 : index
    %swap3A_188 = vector.load %arg6[%swap3A_186, %swap3A_187] : memref<16x512xi32, #tpu.memory_space<vmem>>, vector<1x512xi32>
    tpu.vector_store %arg6[%swap3A_186, %swap3A_187], %broadcast_in_dim3A_185 {strides = array<i32>} : memref<16x512xi32, #tpu.memory_space<vmem>>, vector<1x512xi32>,
    %jit3A_189 = arith.constant 0x7F800000 : f32
    %broadcast_in_dim3A_190 = vector.broadcast %jit3A_189 : f32 to vector<128x512xf32>
    %select_n3A_191 = arith.select %eq3A_179, %broadcast_in_dim3A_190, %select_n3A_166 : vector<128x512xi1>, vector<128x512xf32>
    %reduce_min3A_192 = arith.constant dense<0x7F800000> : vector<512xf32>
    %reduce_min3A_193 = vector.multi_reduction <minimumf>, %select_n3A_191, %reduce_min3A_192 [0] : vector<128x512xf32> to vector<512xf32>
    %broadcast_in_dim3A_194 = vector.shape_cast %reduce_min3A_193 : vector<512xf32> to vector<1x512xf32>
    %eq3A_195 = vector.broadcast %broadcast_in_dim3A_194 : vector<1x512xf32> to vector<128x512xf32>
    %eq3A_196 = arith.cmpf oeq, %select_n3A_191, %eq3A_195 : vector<128x512xf32>
    %jit3A_197 = arith.constant 1000000 : i32
    %broadcast_in_dim3A_198 = vector.broadcast %jit3A_197 : i32 to vector<128x512xi32>
    %select_n3A_199 = arith.select %eq3A_196, %iota3A, %broadcast_in_dim3A_198 : vector<128x512xi1>, vector<128x512xi32>
    %reduce_min3A_200 = arith.constant dense<2147483647> : vector<512xi32>
    %reduce_min3A_201 = vector.multi_reduction <minsi>, %select_n3A_199, %reduce_min3A_200 [0] : vector<128x512xi32> to vector<512xi32>
    %broadcast_in_dim3A_202 = vector.shape_cast %reduce_min3A_201 : vector<512xi32> to vector<1x512xi32>
    %eq3A_203 = vector.broadcast %broadcast_in_dim3A_202 : vector<1x512xi32> to vector<128x512xi32>
    %eq3A_204 = arith.cmpi eq, %iota3A, %eq3A_203 : vector<128x512xi32>
    %jit3A_205 = arith.constant 0 : i32
    %broadcast_in_dim3A_206 = vector.broadcast %jit3A_205 : i32 to vector<128x512xi32>
    %select_n3A_207 = arith.select %eq3A_204, %add3A_122, %broadcast_in_dim3A_206 : vector<128x512xi1>, vector<128x512xi32>
    %reduce_sum3A_208 = arith.constant dense<0> : vector<512xi32>
    %reduce_sum3A_209 = vector.multi_reduction <add>, %select_n3A_207, %reduce_sum3A_208 [0] : vector<128x512xi32> to vector<512xi32>
    %broadcast_in_dim3A_210 = vector.shape_cast %reduce_sum3A_209 : vector<512xi32> to vector<1x512xi32>
    %swap3A_211 = arith.constant 3 : index
    %swap3A_212 = arith.constant 0 : index
    %swap3A_213 = vector.load %arg6[%swap3A_211, %swap3A_212] : memref<16x512xi32, #tpu.memory_space<vmem>>, vector<1x512xi32>
    tpu.vector_store %arg6[%swap3A_211, %swap3A_212], %broadcast_in_dim3A_210 {strides = array<i32>} : memref<16x512xi32, #tpu.memory_space<vmem>>, vector<1x512xi32>,
    %jit3A_214 = arith.constant 0x7F800000 : f32
    %broadcast_in_dim3A_215 = vector.broadcast %jit3A_214 : f32 to vector<128x512xf32>
    %select_n3A_216 = arith.select %eq3A_204, %broadcast_in_dim3A_215, %select_n3A_191 : vector<128x512xi1>, vector<128x512xf32>
    %reduce_min3A_217 = arith.constant dense<0x7F800000> : vector<512xf32>
    %reduce_min3A_218 = vector.multi_reduction <minimumf>, %select_n3A_216, %reduce_min3A_217 [0] : vector<128x512xf32> to vector<512xf32>
    %broadcast_in_dim3A_219 = vector.shape_cast %reduce_min3A_218 : vector<512xf32> to vector<1x512xf32>
    %eq3A_220 = vector.broadcast %broadcast_in_dim3A_219 : vector<1x512xf32> to vector<128x512xf32>
    %eq3A_221 = arith.cmpf oeq, %select_n3A_216, %eq3A_220 : vector<128x512xf32>
    %jit3A_222 = arith.constant 1000000 : i32
    %broadcast_in_dim3A_223 = vector.broadcast %jit3A_222 : i32 to vector<128x512xi32>
    %select_n3A_224 = arith.select %eq3A_221, %iota3A, %broadcast_in_dim3A_223 : vector<128x512xi1>, vector<128x512xi32>
    %reduce_min3A_225 = arith.constant dense<2147483647> : vector<512xi32>
    %reduce_min3A_226 = vector.multi_reduction <minsi>, %select_n3A_224, %reduce_min3A_225 [0] : vector<128x512xi32> to vector<512xi32>
    %broadcast_in_dim3A_227 = vector.shape_cast %reduce_min3A_226 : vector<512xi32> to vector<1x512xi32>
    %eq3A_228 = vector.broadcast %broadcast_in_dim3A_227 : vector<1x512xi32> to vector<128x512xi32>
    %eq3A_229 = arith.cmpi eq, %iota3A, %eq3A_228 : vector<128x512xi32>
    %jit3A_230 = arith.constant 0 : i32
    %broadcast_in_dim3A_231 = vector.broadcast %jit3A_230 : i32 to vector<128x512xi32>
    %select_n3A_232 = arith.select %eq3A_229, %add3A_122, %broadcast_in_dim3A_231 : vector<128x512xi1>, vector<128x512xi32>
    %reduce_sum3A_233 = arith.constant dense<0> : vector<512xi32>
    %reduce_sum3A_234 = vector.multi_reduction <add>, %select_n3A_232, %reduce_sum3A_233 [0] : vector<128x512xi32> to vector<512xi32>
    %broadcast_in_dim3A_235 = vector.shape_cast %reduce_sum3A_234 : vector<512xi32> to vector<1x512xi32>
    %swap3A_236 = arith.constant 4 : index
    %swap3A_237 = arith.constant 0 : index
    %swap3A_238 = vector.load %arg6[%swap3A_236, %swap3A_237] : memref<16x512xi32, #tpu.memory_space<vmem>>, vector<1x512xi32>
    tpu.vector_store %arg6[%swap3A_236, %swap3A_237], %broadcast_in_dim3A_235 {strides = array<i32>} : memref<16x512xi32, #tpu.memory_space<vmem>>, vector<1x512xi32>,
    %jit3A_239 = arith.constant 0x7F800000 : f32
    %broadcast_in_dim3A_240 = vector.broadcast %jit3A_239 : f32 to vector<128x512xf32>
    %select_n3A_241 = arith.select %eq3A_229, %broadcast_in_dim3A_240, %select_n3A_216 : vector<128x512xi1>, vector<128x512xf32>
    %reduce_min3A_242 = arith.constant dense<0x7F800000> : vector<512xf32>
    %reduce_min3A_243 = vector.multi_reduction <minimumf>, %select_n3A_241, %reduce_min3A_242 [0] : vector<128x512xf32> to vector<512xf32>
    %broadcast_in_dim3A_244 = vector.shape_cast %reduce_min3A_243 : vector<512xf32> to vector<1x512xf32>
    %eq3A_245 = vector.broadcast %broadcast_in_dim3A_244 : vector<1x512xf32> to vector<128x512xf32>
    %eq3A_246 = arith.cmpf oeq, %select_n3A_241, %eq3A_245 : vector<128x512xf32>
    %jit3A_247 = arith.constant 1000000 : i32
    %broadcast_in_dim3A_248 = vector.broadcast %jit3A_247 : i32 to vector<128x512xi32>
    %select_n3A_249 = arith.select %eq3A_246, %iota3A, %broadcast_in_dim3A_248 : vector<128x512xi1>, vector<128x512xi32>
    %reduce_min3A_250 = arith.constant dense<2147483647> : vector<512xi32>
    %reduce_min3A_251 = vector.multi_reduction <minsi>, %select_n3A_249, %reduce_min3A_250 [0] : vector<128x512xi32> to vector<512xi32>
    %broadcast_in_dim3A_252 = vector.shape_cast %reduce_min3A_251 : vector<512xi32> to vector<1x512xi32>
    %eq3A_253 = vector.broadcast %broadcast_in_dim3A_252 : vector<1x512xi32> to vector<128x512xi32>
    %eq3A_254 = arith.cmpi eq, %iota3A, %eq3A_253 : vector<128x512xi32>
    %jit3A_255 = arith.constant 0 : i32
    %broadcast_in_dim3A_256 = vector.broadcast %jit3A_255 : i32 to vector<128x512xi32>
    %select_n3A_257 = arith.select %eq3A_254, %add3A_122, %broadcast_in_dim3A_256 : vector<128x512xi1>, vector<128x512xi32>
    %reduce_sum3A_258 = arith.constant dense<0> : vector<512xi32>
    %reduce_sum3A_259 = vector.multi_reduction <add>, %select_n3A_257, %reduce_sum3A_258 [0] : vector<128x512xi32> to vector<512xi32>
    %broadcast_in_dim3A_260 = vector.shape_cast %reduce_sum3A_259 : vector<512xi32> to vector<1x512xi32>
    %swap3A_261 = arith.constant 5 : index
    %swap3A_262 = arith.constant 0 : index
    %swap3A_263 = vector.load %arg6[%swap3A_261, %swap3A_262] : memref<16x512xi32, #tpu.memory_space<vmem>>, vector<1x512xi32>
    tpu.vector_store %arg6[%swap3A_261, %swap3A_262], %broadcast_in_dim3A_260 {strides = array<i32>} : memref<16x512xi32, #tpu.memory_space<vmem>>, vector<1x512xi32>,
    %jit3A_264 = arith.constant 0x7F800000 : f32
    %broadcast_in_dim3A_265 = vector.broadcast %jit3A_264 : f32 to vector<128x512xf32>
    %select_n3A_266 = arith.select %eq3A_254, %broadcast_in_dim3A_265, %select_n3A_241 : vector<128x512xi1>, vector<128x512xf32>
    %reduce_min3A_267 = arith.constant dense<0x7F800000> : vector<512xf32>
    %reduce_min3A_268 = vector.multi_reduction <minimumf>, %select_n3A_266, %reduce_min3A_267 [0] : vector<128x512xf32> to vector<512xf32>
    %broadcast_in_dim3A_269 = vector.shape_cast %reduce_min3A_268 : vector<512xf32> to vector<1x512xf32>
    %eq3A_270 = vector.broadcast %broadcast_in_dim3A_269 : vector<1x512xf32> to vector<128x512xf32>
    %eq3A_271 = arith.cmpf oeq, %select_n3A_266, %eq3A_270 : vector<128x512xf32>
    %jit3A_272 = arith.constant 1000000 : i32
    %broadcast_in_dim3A_273 = vector.broadcast %jit3A_272 : i32 to vector<128x512xi32>
    %select_n3A_274 = arith.select %eq3A_271, %iota3A, %broadcast_in_dim3A_273 : vector<128x512xi1>, vector<128x512xi32>
    %reduce_min3A_275 = arith.constant dense<2147483647> : vector<512xi32>
    %reduce_min3A_276 = vector.multi_reduction <minsi>, %select_n3A_274, %reduce_min3A_275 [0] : vector<128x512xi32> to vector<512xi32>
    %broadcast_in_dim3A_277 = vector.shape_cast %reduce_min3A_276 : vector<512xi32> to vector<1x512xi32>
    %eq3A_278 = vector.broadcast %broadcast_in_dim3A_277 : vector<1x512xi32> to vector<128x512xi32>
    %eq3A_279 = arith.cmpi eq, %iota3A, %eq3A_278 : vector<128x512xi32>
    %jit3A_280 = arith.constant 0 : i32
    %broadcast_in_dim3A_281 = vector.broadcast %jit3A_280 : i32 to vector<128x512xi32>
    %select_n3A_282 = arith.select %eq3A_279, %add3A_122, %broadcast_in_dim3A_281 : vector<128x512xi1>, vector<128x512xi32>
    %reduce_sum3A_283 = arith.constant dense<0> : vector<512xi32>
    %reduce_sum3A_284 = vector.multi_reduction <add>, %select_n3A_282, %reduce_sum3A_283 [0] : vector<128x512xi32> to vector<512xi32>
    %broadcast_in_dim3A_285 = vector.shape_cast %reduce_sum3A_284 : vector<512xi32> to vector<1x512xi32>
    %swap3A_286 = arith.constant 6 : index
    %swap3A_287 = arith.constant 0 : index
    %swap3A_288 = vector.load %arg6[%swap3A_286, %swap3A_287] : memref<16x512xi32, #tpu.memory_space<vmem>>, vector<1x512xi32>
    tpu.vector_store %arg6[%swap3A_286, %swap3A_287], %broadcast_in_dim3A_285 {strides = array<i32>} : memref<16x512xi32, #tpu.memory_space<vmem>>, vector<1x512xi32>,
    %jit3A_289 = arith.constant 0x7F800000 : f32
    %broadcast_in_dim3A_290 = vector.broadcast %jit3A_289 : f32 to vector<128x512xf32>
    %select_n3A_291 = arith.select %eq3A_279, %broadcast_in_dim3A_290, %select_n3A_266 : vector<128x512xi1>, vector<128x512xf32>
    %reduce_min3A_292 = arith.constant dense<0x7F800000> : vector<512xf32>
    %reduce_min3A_293 = vector.multi_reduction <minimumf>, %select_n3A_291, %reduce_min3A_292 [0] : vector<128x512xf32> to vector<512xf32>
    %broadcast_in_dim3A_294 = vector.shape_cast %reduce_min3A_293 : vector<512xf32> to vector<1x512xf32>
    %eq3A_295 = vector.broadcast %broadcast_in_dim3A_294 : vector<1x512xf32> to vector<128x512xf32>
    %eq3A_296 = arith.cmpf oeq, %select_n3A_291, %eq3A_295 : vector<128x512xf32>
    %jit3A_297 = arith.constant 1000000 : i32
    %broadcast_in_dim3A_298 = vector.broadcast %jit3A_297 : i32 to vector<128x512xi32>
    %select_n3A_299 = arith.select %eq3A_296, %iota3A, %broadcast_in_dim3A_298 : vector<128x512xi1>, vector<128x512xi32>
    %reduce_min3A_300 = arith.constant dense<2147483647> : vector<512xi32>
    %reduce_min3A_301 = vector.multi_reduction <minsi>, %select_n3A_299, %reduce_min3A_300 [0] : vector<128x512xi32> to vector<512xi32>
    %broadcast_in_dim3A_302 = vector.shape_cast %reduce_min3A_301 : vector<512xi32> to vector<1x512xi32>
    %eq3A_303 = vector.broadcast %broadcast_in_dim3A_302 : vector<1x512xi32> to vector<128x512xi32>
    %eq3A_304 = arith.cmpi eq, %iota3A, %eq3A_303 : vector<128x512xi32>
    %jit3A_305 = arith.constant 0 : i32
    %broadcast_in_dim3A_306 = vector.broadcast %jit3A_305 : i32 to vector<128x512xi32>
    %select_n3A_307 = arith.select %eq3A_304, %add3A_122, %broadcast_in_dim3A_306 : vector<128x512xi1>, vector<128x512xi32>
    %reduce_sum3A_308 = arith.constant dense<0> : vector<512xi32>
    %reduce_sum3A_309 = vector.multi_reduction <add>, %select_n3A_307, %reduce_sum3A_308 [0] : vector<128x512xi32> to vector<512xi32>
    %broadcast_in_dim3A_310 = vector.shape_cast %reduce_sum3A_309 : vector<512xi32> to vector<1x512xi32>
    %swap3A_311 = arith.constant 7 : index
    %swap3A_312 = arith.constant 0 : index
    %swap3A_313 = vector.load %arg6[%swap3A_311, %swap3A_312] : memref<16x512xi32, #tpu.memory_space<vmem>>, vector<1x512xi32>
    tpu.vector_store %arg6[%swap3A_311, %swap3A_312], %broadcast_in_dim3A_310 {strides = array<i32>} : memref<16x512xi32, #tpu.memory_space<vmem>>, vector<1x512xi32>,
    %jit3A_314 = arith.constant 0x7F800000 : f32
    %broadcast_in_dim3A_315 = vector.broadcast %jit3A_314 : f32 to vector<128x512xf32>
    %select_n3A_316 = arith.select %eq3A_304, %broadcast_in_dim3A_315, %select_n3A_291 : vector<128x512xi1>, vector<128x512xf32>
    %reduce_min3A_317 = arith.constant dense<0x7F800000> : vector<512xf32>
    %reduce_min3A_318 = vector.multi_reduction <minimumf>, %select_n3A_316, %reduce_min3A_317 [0] : vector<128x512xf32> to vector<512xf32>
    %broadcast_in_dim3A_319 = vector.shape_cast %reduce_min3A_318 : vector<512xf32> to vector<1x512xf32>
    %eq3A_320 = vector.broadcast %broadcast_in_dim3A_319 : vector<1x512xf32> to vector<128x512xf32>
    %eq3A_321 = arith.cmpf oeq, %select_n3A_316, %eq3A_320 : vector<128x512xf32>
    %jit3A_322 = arith.constant 1000000 : i32
    %broadcast_in_dim3A_323 = vector.broadcast %jit3A_322 : i32 to vector<128x512xi32>
    %select_n3A_324 = arith.select %eq3A_321, %iota3A, %broadcast_in_dim3A_323 : vector<128x512xi1>, vector<128x512xi32>
    %reduce_min3A_325 = arith.constant dense<2147483647> : vector<512xi32>
    %reduce_min3A_326 = vector.multi_reduction <minsi>, %select_n3A_324, %reduce_min3A_325 [0] : vector<128x512xi32> to vector<512xi32>
    %broadcast_in_dim3A_327 = vector.shape_cast %reduce_min3A_326 : vector<512xi32> to vector<1x512xi32>
    %eq3A_328 = vector.broadcast %broadcast_in_dim3A_327 : vector<1x512xi32> to vector<128x512xi32>
    %eq3A_329 = arith.cmpi eq, %iota3A, %eq3A_328 : vector<128x512xi32>
    %jit3A_330 = arith.constant 0 : i32
    %broadcast_in_dim3A_331 = vector.broadcast %jit3A_330 : i32 to vector<128x512xi32>
    %select_n3A_332 = arith.select %eq3A_329, %add3A_122, %broadcast_in_dim3A_331 : vector<128x512xi1>, vector<128x512xi32>
    %reduce_sum3A_333 = arith.constant dense<0> : vector<512xi32>
    %reduce_sum3A_334 = vector.multi_reduction <add>, %select_n3A_332, %reduce_sum3A_333 [0] : vector<128x512xi32> to vector<512xi32>
    %broadcast_in_dim3A_335 = vector.shape_cast %reduce_sum3A_334 : vector<512xi32> to vector<1x512xi32>
    %swap3A_336 = arith.constant 8 : index
    %swap3A_337 = arith.constant 0 : index
    %swap3A_338 = vector.load %arg6[%swap3A_336, %swap3A_337] : memref<16x512xi32, #tpu.memory_space<vmem>>, vector<1x512xi32>
    tpu.vector_store %arg6[%swap3A_336, %swap3A_337], %broadcast_in_dim3A_335 {strides = array<i32>} : memref<16x512xi32, #tpu.memory_space<vmem>>, vector<1x512xi32>,
    %jit3A_339 = arith.constant 0x7F800000 : f32
    %broadcast_in_dim3A_340 = vector.broadcast %jit3A_339 : f32 to vector<128x512xf32>
    %select_n3A_341 = arith.select %eq3A_329, %broadcast_in_dim3A_340, %select_n3A_316 : vector<128x512xi1>, vector<128x512xf32>
    %reduce_min3A_342 = arith.constant dense<0x7F800000> : vector<512xf32>
    %reduce_min3A_343 = vector.multi_reduction <minimumf>, %select_n3A_341, %reduce_min3A_342 [0] : vector<128x512xf32> to vector<512xf32>
    %broadcast_in_dim3A_344 = vector.shape_cast %reduce_min3A_343 : vector<512xf32> to vector<1x512xf32>
    %eq3A_345 = vector.broadcast %broadcast_in_dim3A_344 : vector<1x512xf32> to vector<128x512xf32>
    %eq3A_346 = arith.cmpf oeq, %select_n3A_341, %eq3A_345 : vector<128x512xf32>
    %jit3A_347 = arith.constant 1000000 : i32
    %broadcast_in_dim3A_348 = vector.broadcast %jit3A_347 : i32 to vector<128x512xi32>
    %select_n3A_349 = arith.select %eq3A_346, %iota3A, %broadcast_in_dim3A_348 : vector<128x512xi1>, vector<128x512xi32>
    %reduce_min3A_350 = arith.constant dense<2147483647> : vector<512xi32>
    %reduce_min3A_351 = vector.multi_reduction <minsi>, %select_n3A_349, %reduce_min3A_350 [0] : vector<128x512xi32> to vector<512xi32>
    %broadcast_in_dim3A_352 = vector.shape_cast %reduce_min3A_351 : vector<512xi32> to vector<1x512xi32>
    %eq3A_353 = vector.broadcast %broadcast_in_dim3A_352 : vector<1x512xi32> to vector<128x512xi32>
    %eq3A_354 = arith.cmpi eq, %iota3A, %eq3A_353 : vector<128x512xi32>
    %jit3A_355 = arith.constant 0 : i32
    %broadcast_in_dim3A_356 = vector.broadcast %jit3A_355 : i32 to vector<128x512xi32>
    %select_n3A_357 = arith.select %eq3A_354, %add3A_122, %broadcast_in_dim3A_356 : vector<128x512xi1>, vector<128x512xi32>
    %reduce_sum3A_358 = arith.constant dense<0> : vector<512xi32>
    %reduce_sum3A_359 = vector.multi_reduction <add>, %select_n3A_357, %reduce_sum3A_358 [0] : vector<128x512xi32> to vector<512xi32>
    %broadcast_in_dim3A_360 = vector.shape_cast %reduce_sum3A_359 : vector<512xi32> to vector<1x512xi32>
    %swap3A_361 = arith.constant 9 : index
    %swap3A_362 = arith.constant 0 : index
    %swap3A_363 = vector.load %arg6[%swap3A_361, %swap3A_362] : memref<16x512xi32, #tpu.memory_space<vmem>>, vector<1x512xi32>
    tpu.vector_store %arg6[%swap3A_361, %swap3A_362], %broadcast_in_dim3A_360 {strides = array<i32>} : memref<16x512xi32, #tpu.memory_space<vmem>>, vector<1x512xi32>,
    %jit3A_364 = arith.constant 0x7F800000 : f32
    %broadcast_in_dim3A_365 = vector.broadcast %jit3A_364 : f32 to vector<128x512xf32>
    %select_n3A_366 = arith.select %eq3A_354, %broadcast_in_dim3A_365, %select_n3A_341 : vector<128x512xi1>, vector<128x512xf32>
    %reduce_min3A_367 = arith.constant dense<0x7F800000> : vector<512xf32>
    %reduce_min3A_368 = vector.multi_reduction <minimumf>, %select_n3A_366, %reduce_min3A_367 [0] : vector<128x512xf32> to vector<512xf32>
    %broadcast_in_dim3A_369 = vector.shape_cast %reduce_min3A_368 : vector<512xf32> to vector<1x512xf32>
    %eq3A_370 = vector.broadcast %broadcast_in_dim3A_369 : vector<1x512xf32> to vector<128x512xf32>
    %eq3A_371 = arith.cmpf oeq, %select_n3A_366, %eq3A_370 : vector<128x512xf32>
    %jit3A_372 = arith.constant 1000000 : i32
    %broadcast_in_dim3A_373 = vector.broadcast %jit3A_372 : i32 to vector<128x512xi32>
    %select_n3A_374 = arith.select %eq3A_371, %iota3A, %broadcast_in_dim3A_373 : vector<128x512xi1>, vector<128x512xi32>
    %reduce_min3A_375 = arith.constant dense<2147483647> : vector<512xi32>
    %reduce_min3A_376 = vector.multi_reduction <minsi>, %select_n3A_374, %reduce_min3A_375 [0] : vector<128x512xi32> to vector<512xi32>
    %broadcast_in_dim3A_377 = vector.shape_cast %reduce_min3A_376 : vector<512xi32> to vector<1x512xi32>
    %eq3A_378 = vector.broadcast %broadcast_in_dim3A_377 : vector<1x512xi32> to vector<128x512xi32>
    %eq3A_379 = arith.cmpi eq, %iota3A, %eq3A_378 : vector<128x512xi32>
    %jit3A_380 = arith.constant 0 : i32
    %broadcast_in_dim3A_381 = vector.broadcast %jit3A_380 : i32 to vector<128x512xi32>
    %select_n3A_382 = arith.select %eq3A_379, %add3A_122, %broadcast_in_dim3A_381 : vector<128x512xi1>, vector<128x512xi32>
    %reduce_sum3A_383 = arith.constant dense<0> : vector<512xi32>
    %reduce_sum3A_384 = vector.multi_reduction <add>, %select_n3A_382, %reduce_sum3A_383 [0] : vector<128x512xi32> to vector<512xi32>
    %broadcast_in_dim3A_385 = vector.shape_cast %reduce_sum3A_384 : vector<512xi32> to vector<1x512xi32>
    %swap3A_386 = arith.constant 10 : index
    %swap3A_387 = arith.constant 0 : index
    %swap3A_388 = vector.load %arg6[%swap3A_386, %swap3A_387] : memref<16x512xi32, #tpu.memory_space<vmem>>, vector<1x512xi32>
    tpu.vector_store %arg6[%swap3A_386, %swap3A_387], %broadcast_in_dim3A_385 {strides = array<i32>} : memref<16x512xi32, #tpu.memory_space<vmem>>, vector<1x512xi32>,
    %jit3A_389 = arith.constant 0x7F800000 : f32
    %broadcast_in_dim3A_390 = vector.broadcast %jit3A_389 : f32 to vector<128x512xf32>
    %select_n3A_391 = arith.select %eq3A_379, %broadcast_in_dim3A_390, %select_n3A_366 : vector<128x512xi1>, vector<128x512xf32>
    %reduce_min3A_392 = arith.constant dense<0x7F800000> : vector<512xf32>
    %reduce_min3A_393 = vector.multi_reduction <minimumf>, %select_n3A_391, %reduce_min3A_392 [0] : vector<128x512xf32> to vector<512xf32>
    %broadcast_in_dim3A_394 = vector.shape_cast %reduce_min3A_393 : vector<512xf32> to vector<1x512xf32>
    %eq3A_395 = vector.broadcast %broadcast_in_dim3A_394 : vector<1x512xf32> to vector<128x512xf32>
    %eq3A_396 = arith.cmpf oeq, %select_n3A_391, %eq3A_395 : vector<128x512xf32>
    %jit3A_397 = arith.constant 1000000 : i32
    %broadcast_in_dim3A_398 = vector.broadcast %jit3A_397 : i32 to vector<128x512xi32>
    %select_n3A_399 = arith.select %eq3A_396, %iota3A, %broadcast_in_dim3A_398 : vector<128x512xi1>, vector<128x512xi32>
    %reduce_min3A_400 = arith.constant dense<2147483647> : vector<512xi32>
    %reduce_min3A_401 = vector.multi_reduction <minsi>, %select_n3A_399, %reduce_min3A_400 [0] : vector<128x512xi32> to vector<512xi32>
    %broadcast_in_dim3A_402 = vector.shape_cast %reduce_min3A_401 : vector<512xi32> to vector<1x512xi32>
    %eq3A_403 = vector.broadcast %broadcast_in_dim3A_402 : vector<1x512xi32> to vector<128x512xi32>
    %eq3A_404 = arith.cmpi eq, %iota3A, %eq3A_403 : vector<128x512xi32>
    %jit3A_405 = arith.constant 0 : i32
    %broadcast_in_dim3A_406 = vector.broadcast %jit3A_405 : i32 to vector<128x512xi32>
    %select_n3A_407 = arith.select %eq3A_404, %add3A_122, %broadcast_in_dim3A_406 : vector<128x512xi1>, vector<128x512xi32>
    %reduce_sum3A_408 = arith.constant dense<0> : vector<512xi32>
    %reduce_sum3A_409 = vector.multi_reduction <add>, %select_n3A_407, %reduce_sum3A_408 [0] : vector<128x512xi32> to vector<512xi32>
    %broadcast_in_dim3A_410 = vector.shape_cast %reduce_sum3A_409 : vector<512xi32> to vector<1x512xi32>
    %swap3A_411 = arith.constant 11 : index
    %swap3A_412 = arith.constant 0 : index
    %swap3A_413 = vector.load %arg6[%swap3A_411, %swap3A_412] : memref<16x512xi32, #tpu.memory_space<vmem>>, vector<1x512xi32>
    tpu.vector_store %arg6[%swap3A_411, %swap3A_412], %broadcast_in_dim3A_410 {strides = array<i32>} : memref<16x512xi32, #tpu.memory_space<vmem>>, vector<1x512xi32>,
    %jit3A_414 = arith.constant 0x7F800000 : f32
    %broadcast_in_dim3A_415 = vector.broadcast %jit3A_414 : f32 to vector<128x512xf32>
    %select_n3A_416 = arith.select %eq3A_404, %broadcast_in_dim3A_415, %select_n3A_391 : vector<128x512xi1>, vector<128x512xf32>
    %reduce_min3A_417 = arith.constant dense<0x7F800000> : vector<512xf32>
    %reduce_min3A_418 = vector.multi_reduction <minimumf>, %select_n3A_416, %reduce_min3A_417 [0] : vector<128x512xf32> to vector<512xf32>
    %broadcast_in_dim3A_419 = vector.shape_cast %reduce_min3A_418 : vector<512xf32> to vector<1x512xf32>
    %eq3A_420 = vector.broadcast %broadcast_in_dim3A_419 : vector<1x512xf32> to vector<128x512xf32>
    %eq3A_421 = arith.cmpf oeq, %select_n3A_416, %eq3A_420 : vector<128x512xf32>
    %jit3A_422 = arith.constant 1000000 : i32
    %broadcast_in_dim3A_423 = vector.broadcast %jit3A_422 : i32 to vector<128x512xi32>
    %select_n3A_424 = arith.select %eq3A_421, %iota3A, %broadcast_in_dim3A_423 : vector<128x512xi1>, vector<128x512xi32>
    %reduce_min3A_425 = arith.constant dense<2147483647> : vector<512xi32>
    %reduce_min3A_426 = vector.multi_reduction <minsi>, %select_n3A_424, %reduce_min3A_425 [0] : vector<128x512xi32> to vector<512xi32>
    %broadcast_in_dim3A_427 = vector.shape_cast %reduce_min3A_426 : vector<512xi32> to vector<1x512xi32>
    %eq3A_428 = vector.broadcast %broadcast_in_dim3A_427 : vector<1x512xi32> to vector<128x512xi32>
    %eq3A_429 = arith.cmpi eq, %iota3A, %eq3A_428 : vector<128x512xi32>
    %jit3A_430 = arith.constant 0 : i32
    %broadcast_in_dim3A_431 = vector.broadcast %jit3A_430 : i32 to vector<128x512xi32>
    %select_n3A_432 = arith.select %eq3A_429, %add3A_122, %broadcast_in_dim3A_431 : vector<128x512xi1>, vector<128x512xi32>
    %reduce_sum3A_433 = arith.constant dense<0> : vector<512xi32>
    %reduce_sum3A_434 = vector.multi_reduction <add>, %select_n3A_432, %reduce_sum3A_433 [0] : vector<128x512xi32> to vector<512xi32>
    %broadcast_in_dim3A_435 = vector.shape_cast %reduce_sum3A_434 : vector<512xi32> to vector<1x512xi32>
    %swap3A_436 = arith.constant 12 : index
    %swap3A_437 = arith.constant 0 : index
    %swap3A_438 = vector.load %arg6[%swap3A_436, %swap3A_437] : memref<16x512xi32, #tpu.memory_space<vmem>>, vector<1x512xi32>
    tpu.vector_store %arg6[%swap3A_436, %swap3A_437], %broadcast_in_dim3A_435 {strides = array<i32>} : memref<16x512xi32, #tpu.memory_space<vmem>>, vector<1x512xi32>,
    %jit3A_439 = arith.constant 0x7F800000 : f32
    %broadcast_in_dim3A_440 = vector.broadcast %jit3A_439 : f32 to vector<128x512xf32>
    %select_n3A_441 = arith.select %eq3A_429, %broadcast_in_dim3A_440, %select_n3A_416 : vector<128x512xi1>, vector<128x512xf32>
    %reduce_min3A_442 = arith.constant dense<0x7F800000> : vector<512xf32>
    %reduce_min3A_443 = vector.multi_reduction <minimumf>, %select_n3A_441, %reduce_min3A_442 [0] : vector<128x512xf32> to vector<512xf32>
    %broadcast_in_dim3A_444 = vector.shape_cast %reduce_min3A_443 : vector<512xf32> to vector<1x512xf32>
    %eq3A_445 = vector.broadcast %broadcast_in_dim3A_444 : vector<1x512xf32> to vector<128x512xf32>
    %eq3A_446 = arith.cmpf oeq, %select_n3A_441, %eq3A_445 : vector<128x512xf32>
    %jit3A_447 = arith.constant 1000000 : i32
    %broadcast_in_dim3A_448 = vector.broadcast %jit3A_447 : i32 to vector<128x512xi32>
    %select_n3A_449 = arith.select %eq3A_446, %iota3A, %broadcast_in_dim3A_448 : vector<128x512xi1>, vector<128x512xi32>
    %reduce_min3A_450 = arith.constant dense<2147483647> : vector<512xi32>
    %reduce_min3A_451 = vector.multi_reduction <minsi>, %select_n3A_449, %reduce_min3A_450 [0] : vector<128x512xi32> to vector<512xi32>
    %broadcast_in_dim3A_452 = vector.shape_cast %reduce_min3A_451 : vector<512xi32> to vector<1x512xi32>
    %eq3A_453 = vector.broadcast %broadcast_in_dim3A_452 : vector<1x512xi32> to vector<128x512xi32>
    %eq3A_454 = arith.cmpi eq, %iota3A, %eq3A_453 : vector<128x512xi32>
    %jit3A_455 = arith.constant 0 : i32
    %broadcast_in_dim3A_456 = vector.broadcast %jit3A_455 : i32 to vector<128x512xi32>
    %select_n3A_457 = arith.select %eq3A_454, %add3A_122, %broadcast_in_dim3A_456 : vector<128x512xi1>, vector<128x512xi32>
    %reduce_sum3A_458 = arith.constant dense<0> : vector<512xi32>
    %reduce_sum3A_459 = vector.multi_reduction <add>, %select_n3A_457, %reduce_sum3A_458 [0] : vector<128x512xi32> to vector<512xi32>
    %broadcast_in_dim3A_460 = vector.shape_cast %reduce_sum3A_459 : vector<512xi32> to vector<1x512xi32>
    %swap3A_461 = arith.constant 13 : index
    %swap3A_462 = arith.constant 0 : index
    %swap3A_463 = vector.load %arg6[%swap3A_461, %swap3A_462] : memref<16x512xi32, #tpu.memory_space<vmem>>, vector<1x512xi32>
    tpu.vector_store %arg6[%swap3A_461, %swap3A_462], %broadcast_in_dim3A_460 {strides = array<i32>} : memref<16x512xi32, #tpu.memory_space<vmem>>, vector<1x512xi32>,
    %jit3A_464 = arith.constant 0x7F800000 : f32
    %broadcast_in_dim3A_465 = vector.broadcast %jit3A_464 : f32 to vector<128x512xf32>
    %select_n3A_466 = arith.select %eq3A_454, %broadcast_in_dim3A_465, %select_n3A_441 : vector<128x512xi1>, vector<128x512xf32>
    %reduce_min3A_467 = arith.constant dense<0x7F800000> : vector<512xf32>
    %reduce_min3A_468 = vector.multi_reduction <minimumf>, %select_n3A_466, %reduce_min3A_467 [0] : vector<128x512xf32> to vector<512xf32>
    %broadcast_in_dim3A_469 = vector.shape_cast %reduce_min3A_468 : vector<512xf32> to vector<1x512xf32>
    %eq3A_470 = vector.broadcast %broadcast_in_dim3A_469 : vector<1x512xf32> to vector<128x512xf32>
    %eq3A_471 = arith.cmpf oeq, %select_n3A_466, %eq3A_470 : vector<128x512xf32>
    %jit3A_472 = arith.constant 1000000 : i32
    %broadcast_in_dim3A_473 = vector.broadcast %jit3A_472 : i32 to vector<128x512xi32>
    %select_n3A_474 = arith.select %eq3A_471, %iota3A, %broadcast_in_dim3A_473 : vector<128x512xi1>, vector<128x512xi32>
    %reduce_min3A_475 = arith.constant dense<2147483647> : vector<512xi32>
    %reduce_min3A_476 = vector.multi_reduction <minsi>, %select_n3A_474, %reduce_min3A_475 [0] : vector<128x512xi32> to vector<512xi32>
    %broadcast_in_dim3A_477 = vector.shape_cast %reduce_min3A_476 : vector<512xi32> to vector<1x512xi32>
    %eq3A_478 = vector.broadcast %broadcast_in_dim3A_477 : vector<1x512xi32> to vector<128x512xi32>
    %eq3A_479 = arith.cmpi eq, %iota3A, %eq3A_478 : vector<128x512xi32>
    %jit3A_480 = arith.constant 0 : i32
    %broadcast_in_dim3A_481 = vector.broadcast %jit3A_480 : i32 to vector<128x512xi32>
    %select_n3A_482 = arith.select %eq3A_479, %add3A_122, %broadcast_in_dim3A_481 : vector<128x512xi1>, vector<128x512xi32>
    %reduce_sum3A_483 = arith.constant dense<0> : vector<512xi32>
    %reduce_sum3A_484 = vector.multi_reduction <add>, %select_n3A_482, %reduce_sum3A_483 [0] : vector<128x512xi32> to vector<512xi32>
    %broadcast_in_dim3A_485 = vector.shape_cast %reduce_sum3A_484 : vector<512xi32> to vector<1x512xi32>
    %swap3A_486 = arith.constant 14 : index
    %swap3A_487 = arith.constant 0 : index
    %swap3A_488 = vector.load %arg6[%swap3A_486, %swap3A_487] : memref<16x512xi32, #tpu.memory_space<vmem>>, vector<1x512xi32>
    tpu.vector_store %arg6[%swap3A_486, %swap3A_487], %broadcast_in_dim3A_485 {strides = array<i32>} : memref<16x512xi32, #tpu.memory_space<vmem>>, vector<1x512xi32>,
    %jit3A_489 = arith.constant 0x7F800000 : f32
    %broadcast_in_dim3A_490 = vector.broadcast %jit3A_489 : f32 to vector<128x512xf32>
    %select_n3A_491 = arith.select %eq3A_479, %broadcast_in_dim3A_490, %select_n3A_466 : vector<128x512xi1>, vector<128x512xf32>
    %reduce_min3A_492 = arith.constant dense<0x7F800000> : vector<512xf32>
    %reduce_min3A_493 = vector.multi_reduction <minimumf>, %select_n3A_491, %reduce_min3A_492 [0] : vector<128x512xf32> to vector<512xf32>
    %broadcast_in_dim3A_494 = vector.shape_cast %reduce_min3A_493 : vector<512xf32> to vector<1x512xf32>
    %eq3A_495 = vector.broadcast %broadcast_in_dim3A_494 : vector<1x512xf32> to vector<128x512xf32>
    %eq3A_496 = arith.cmpf oeq, %select_n3A_491, %eq3A_495 : vector<128x512xf32>
    %jit3A_497 = arith.constant 1000000 : i32
    %broadcast_in_dim3A_498 = vector.broadcast %jit3A_497 : i32 to vector<128x512xi32>
    %select_n3A_499 = arith.select %eq3A_496, %iota3A, %broadcast_in_dim3A_498 : vector<128x512xi1>, vector<128x512xi32>
    %reduce_min3A_500 = arith.constant dense<2147483647> : vector<512xi32>
    %reduce_min3A_501 = vector.multi_reduction <minsi>, %select_n3A_499, %reduce_min3A_500 [0] : vector<128x512xi32> to vector<512xi32>
    %broadcast_in_dim3A_502 = vector.shape_cast %reduce_min3A_501 : vector<512xi32> to vector<1x512xi32>
    %eq3A_503 = vector.broadcast %broadcast_in_dim3A_502 : vector<1x512xi32> to vector<128x512xi32>
    %eq3A_504 = arith.cmpi eq, %iota3A, %eq3A_503 : vector<128x512xi32>
    %jit3A_505 = arith.constant 0 : i32
    %broadcast_in_dim3A_506 = vector.broadcast %jit3A_505 : i32 to vector<128x512xi32>
    %select_n3A_507 = arith.select %eq3A_504, %add3A_122, %broadcast_in_dim3A_506 : vector<128x512xi1>, vector<128x512xi32>
    %reduce_sum3A_508 = arith.constant dense<0> : vector<512xi32>
    %reduce_sum3A_509 = vector.multi_reduction <add>, %select_n3A_507, %reduce_sum3A_508 [0] : vector<128x512xi32> to vector<512xi32>
    %broadcast_in_dim3A_510 = vector.shape_cast %reduce_sum3A_509 : vector<512xi32> to vector<1x512xi32>
    %swap3A_511 = arith.constant 15 : index
    %swap3A_512 = arith.constant 0 : index
    %swap3A_513 = vector.load %arg6[%swap3A_511, %swap3A_512] : memref<16x512xi32, #tpu.memory_space<vmem>>, vector<1x512xi32>
    tpu.vector_store %arg6[%swap3A_511, %swap3A_512], %broadcast_in_dim3A_510 {strides = array<i32>} : memref<16x512xi32, #tpu.memory_space<vmem>>, vector<1x512xi32>,
    return
  }
  func.func @transform_0(%arg0: i32) -> (i32, i32) {
    %c0_i32 = arith.constant 0 : i32
    %c0_i32_0 = arith.constant 0 : i32
    return %c0_i32, %arg0 : i32, i32
  }
  func.func @transform_1(%arg0: i32) -> (i32, i32) {
    %c0_i32 = arith.constant 0 : i32
    %c0_i32_0 = arith.constant 0 : i32
    %c0_i32_1 = arith.constant 0 : i32
    return %c0_i32, %c0_i32_0 : i32, i32
  }
  func.func @transform_2(%arg0: i32) -> (i32, i32) {
    %c0_i32 = arith.constant 0 : i32
    %c0_i32_0 = arith.constant 0 : i32
    %c0_i32_1 = arith.constant 0 : i32
    return %c0_i32, %c0_i32_0 : i32, i32
  }
  func.func @transform_3(%arg0: i32) -> (i32, i32) {
    %c0_i32 = arith.constant 0 : i32
    %c0_i32_0 = arith.constant 0 : i32
    %c0_i32_1 = arith.constant 0 : i32
    return %c0_i32, %c0_i32_0 : i32, i32
  }
  func.func @transform_4(%arg0: i32) -> (i32, i32) {
    %c0_i32 = arith.constant 0 : i32
    %c0_i32_0 = arith.constant 0 : i32
    %c0_i32_1 = arith.constant 0 : i32
    return %c0_i32, %c0_i32_0 : i32, i32
  }
  func.func @transform_5(%arg0: i32) -> (i32, i32) {
    %c0_i32 = arith.constant 0 : i32
    %c0_i32_0 = arith.constant 0 : i32
    return %c0_i32, %arg0 : i32, i32
  }
}

module attributes {stable_mosaic.version = 14 : i64} {
  func.func @_fwd_body(%arg0: i32, %arg1: memref<512x256xf32, #tpu.memory_space<vmem>>, %arg2: memref<512x16xi32, #tpu.memory_space<vmem>>, %arg3: memref<512x3xf32, #tpu.memory_space<vmem>>, %arg4: memref<512x16xf32, #tpu.memory_space<vmem>>, %arg5: memref<256x512xf32, #tpu.memory_space<vmem>>, %arg6: memref<16x512xf32, #tpu.memory_space<vmem>>, %arg7: memref<16x512xf32, #tpu.memory_space<vmem>>, %arg8: memref<16x512xf32, #tpu.memory_space<vmem>>, %arg9: memref<16x512xf32, #tpu.memory_space<vmem>>, %arg10: memref<1x512xf32, #tpu.memory_space<vmem>>, %arg11: memref<32x16xf32, #tpu.memory_space<vmem>>, %arg12: memref<1x16xf32, #tpu.memory_space<vmem>>, %arg13: memref<16x32xf32, #tpu.memory_space<vmem>>, %arg14: memref<1x32xf32, #tpu.memory_space<vmem>>, %arg15: memref<32x16xf32, #tpu.memory_space<vmem>>, %arg16: memref<1x16xf32, #tpu.memory_space<vmem>>, %arg17: memref<512x16xf32, #tpu.memory_space<vmem>>) attributes {dimension_semantics = [#tpu.dimension_semantics<arbitrary>], iteration_bounds = array<i64: 49>, scalar_prefetch = 0 : i64, scratch_operands = 0 : i64, tpu.core_type = #tpu.core_type<tc>, window_params = [{transform_indices = @transform_0, window_bounds = array<i64: 512, 256>}, {transform_indices = @transform_1, window_bounds = array<i64: 512, 16>}, {transform_indices = @transform_2, window_bounds = array<i64: 512, 3>}, {transform_indices = @transform_3, window_bounds = array<i64: 512, 16>}, {pipeline_mode = #tpu.pipeline_mode<synchronous>, transform_indices = @transform_4, window_bounds = array<i64: 256, 512>}, {pipeline_mode = #tpu.pipeline_mode<synchronous>, transform_indices = @transform_5, window_bounds = array<i64: 16, 512>}, {pipeline_mode = #tpu.pipeline_mode<synchronous>, transform_indices = @transform_6, window_bounds = array<i64: 16, 512>}, {pipeline_mode = #tpu.pipeline_mode<synchronous>, transform_indices = @transform_7, window_bounds = array<i64: 16, 512>}, {pipeline_mode = #tpu.pipeline_mode<synchronous>, transform_indices = @transform_8, window_bounds = array<i64: 16, 512>}, {pipeline_mode = #tpu.pipeline_mode<synchronous>, transform_indices = @transform_9, window_bounds = array<i64: 1, 512>}, {pipeline_mode = #tpu.pipeline_mode<synchronous>, transform_indices = @transform_10, window_bounds = array<i64: 32, 16>}, {pipeline_mode = #tpu.pipeline_mode<synchronous>, transform_indices = @transform_11, window_bounds = array<i64: 1, 16>}, {pipeline_mode = #tpu.pipeline_mode<synchronous>, transform_indices = @transform_12, window_bounds = array<i64: 16, 32>}, {pipeline_mode = #tpu.pipeline_mode<synchronous>, transform_indices = @transform_13, window_bounds = array<i64: 1, 32>}, {pipeline_mode = #tpu.pipeline_mode<synchronous>, transform_indices = @transform_14, window_bounds = array<i64: 32, 16>}, {pipeline_mode = #tpu.pipeline_mode<synchronous>, transform_indices = @transform_15, window_bounds = array<i64: 1, 16>}, {transform_indices = @transform_16, window_bounds = array<i64: 512, 16>}]} {
    %get3A = arith.constant 0 : index
    %get3A_0 = arith.constant 0 : index
    %get3A_1 = vector.load %arg3[%get3A, %get3A_0] : memref<512x3xf32, #tpu.memory_space<vmem>>, vector<512x1xf32>
    %mul3A = arith.constant 1.600000e+01 : f32
    %mul3A_2 = vector.broadcast %mul3A : f32 to vector<512x1xf32>
    %mul3A_3 = arith.mulf %get3A_1, %mul3A_2 : vector<512x1xf32>
    %get3A_4 = arith.constant 0 : index
    %get3A_5 = arith.constant 1 : index
    %get3A_6 = vector.load %arg3[%get3A_4, %get3A_5] : memref<512x3xf32, #tpu.memory_space<vmem>>, vector<512x1xf32>
    %mul3A_7 = arith.constant 1.600000e+01 : f32
    %mul3A_8 = vector.broadcast %mul3A_7 : f32 to vector<512x1xf32>
    %mul3A_9 = arith.mulf %get3A_6, %mul3A_8 : vector<512x1xf32>
    %get3A_10 = arith.constant 0 : index
    %get3A_11 = arith.constant 2 : index
    %get3A_12 = vector.load %arg3[%get3A_10, %get3A_11] : memref<512x3xf32, #tpu.memory_space<vmem>>, vector<512x1xf32>
    %mul3A_13 = arith.constant 1.600000e+01 : f32
    %mul3A_14 = vector.broadcast %mul3A_13 : f32 to vector<512x1xf32>
    %mul3A_15 = arith.mulf %get3A_12, %mul3A_14 : vector<512x1xf32>
    %get3A_16 = arith.constant 0 : index
    %get3A_17 = arith.constant 0 : index
    %get3A_18 = vector.load %arg2[%get3A_16, %get3A_17] : memref<512x16xi32, #tpu.memory_space<vmem>>, vector<512x16xi32>
    %shift_right_arithmetic3A = arith.constant 10 : i32
    %shift_right_arithmetic3A_19 = vector.broadcast %shift_right_arithmetic3A : i32 to vector<512x16xi32>
    %shift_right_arithmetic3A_20 = arith.shrsi %get3A_18, %shift_right_arithmetic3A_19 : vector<512x16xi32>
    %convert_element_type3A = arith.sitofp %shift_right_arithmetic3A_20 : vector<512x16xi32> to vector<512x16xf32>
    %sub3A = arith.constant 1.550000e+01 : f32
    %sub3A_21 = vector.broadcast %sub3A : f32 to vector<512x16xf32>
    %sub3A_22 = arith.subf %convert_element_type3A, %sub3A_21 : vector<512x16xf32>
    %shift_right_arithmetic3A_23 = arith.constant 5 : i32
    %shift_right_arithmetic3A_24 = vector.broadcast %shift_right_arithmetic3A_23 : i32 to vector<512x16xi32>
    %shift_right_arithmetic3A_25 = arith.shrsi %get3A_18, %shift_right_arithmetic3A_24 : vector<512x16xi32>
    %and3A = arith.constant 31 : i32
    %and3A_26 = vector.broadcast %and3A : i32 to vector<512x16xi32>
    %and3A_27 = arith.andi %shift_right_arithmetic3A_25, %and3A_26 : vector<512x16xi32>
    %convert_element_type3A_28 = arith.sitofp %and3A_27 : vector<512x16xi32> to vector<512x16xf32>
    %sub3A_29 = arith.constant 1.550000e+01 : f32
    %sub3A_30 = vector.broadcast %sub3A_29 : f32 to vector<512x16xf32>
    %sub3A_31 = arith.subf %convert_element_type3A_28, %sub3A_30 : vector<512x16xf32>
    %and3A_32 = arith.constant 31 : i32
    %and3A_33 = vector.broadcast %and3A_32 : i32 to vector<512x16xi32>
    %and3A_34 = arith.andi %get3A_18, %and3A_33 : vector<512x16xi32>
    %convert_element_type3A_35 = arith.sitofp %and3A_34 : vector<512x16xi32> to vector<512x16xf32>
    %sub3A_36 = arith.constant 1.550000e+01 : f32
    %sub3A_37 = vector.broadcast %sub3A_36 : f32 to vector<512x16xf32>
    %sub3A_38 = arith.subf %convert_element_type3A_35, %sub3A_37 : vector<512x16xf32>
    %get3A_39 = arith.constant 0 : index
    %get3A_40 = arith.constant 0 : index
    %get3A_41 = vector.load %arg1[%get3A_39, %get3A_40] : memref<512x256xf32, #tpu.memory_space<vmem>>, vector<512x256xf32>
    %convert_element_type3A_42 = arith.truncf %get3A_41 : vector<512x256xf32> to vector<512x256xbf16>
    %convert_element_type3A_43 = arith.extf %convert_element_type3A_42 : vector<512x256xbf16> to vector<512x256xf32>
    %get3A_44 = arith.constant 0 : index
    %get3A_45 = arith.constant 0 : index
    %get3A_46 = vector.load %arg5[%get3A_44, %get3A_45] : memref<256x512xf32, #tpu.memory_space<vmem>>, vector<256x512xf32>
    %convert_element_type3A_47 = arith.truncf %get3A_46 : vector<256x512xf32> to vector<256x512xbf16>
    %convert_element_type3A_48 = arith.extf %convert_element_type3A_47 : vector<256x512xbf16> to vector<256x512xf32>
    %dot_general3A = arith.constant dense<0.000000e+00> : vector<512x512xf32>
    %dot_general3A_49 = tpu.matmul %convert_element_type3A_43, %convert_element_type3A_48, %dot_general3A {dimension_numbers = #tpu.dot_dimension_numbers<[1], [0], [0], [1], [0, 0, 1, 1], [], []>, transpose_lhs_hint = false} : vector<512x256xf32>, vector<256x512xf32>, vector<512x512xf32> -> vector<512x512xf32>
    %sub3A_50 = vector.broadcast %mul3A_3 : vector<512x1xf32> to vector<512x16xf32>
    %sub3A_51 = arith.subf %sub3A_22, %sub3A_50 : vector<512x16xf32>
    %convert_element_type3A_52 = arith.truncf %sub3A_51 : vector<512x16xf32> to vector<512x16xbf16>
    %convert_element_type3A_53 = arith.extf %convert_element_type3A_52 : vector<512x16xbf16> to vector<512x16xf32>
    %get3A_54 = arith.constant 0 : index
    %get3A_55 = arith.constant 0 : index
    %get3A_56 = vector.load %arg6[%get3A_54, %get3A_55] : memref<16x512xf32, #tpu.memory_space<vmem>>, vector<16x512xf32>
    %convert_element_type3A_57 = arith.truncf %get3A_56 : vector<16x512xf32> to vector<16x512xbf16>
    %convert_element_type3A_58 = arith.extf %convert_element_type3A_57 : vector<16x512xbf16> to vector<16x512xf32>
    %dot_general3A_59 = arith.constant dense<0.000000e+00> : vector<512x512xf32>
    %dot_general3A_60 = tpu.matmul %convert_element_type3A_53, %convert_element_type3A_58, %dot_general3A_59 {dimension_numbers = #tpu.dot_dimension_numbers<[1], [0], [0], [1], [0, 0, 1, 1], [], []>, transpose_lhs_hint = false} : vector<512x16xf32>, vector<16x512xf32>, vector<512x512xf32> -> vector<512x512xf32>
    %add3A = arith.addf %dot_general3A_49, %dot_general3A_60 : vector<512x512xf32>
    %sub3A_61 = vector.broadcast %mul3A_9 : vector<512x1xf32> to vector<512x16xf32>
    %sub3A_62 = arith.subf %sub3A_31, %sub3A_61 : vector<512x16xf32>
    %convert_element_type3A_63 = arith.truncf %sub3A_62 : vector<512x16xf32> to vector<512x16xbf16>
    %convert_element_type3A_64 = arith.extf %convert_element_type3A_63 : vector<512x16xbf16> to vector<512x16xf32>
    %get3A_65 = arith.constant 0 : index
    %get3A_66 = arith.constant 0 : index
    %get3A_67 = vector.load %arg7[%get3A_65, %get3A_66] : memref<16x512xf32, #tpu.memory_space<vmem>>, vector<16x512xf32>
    %convert_element_type3A_68 = arith.truncf %get3A_67 : vector<16x512xf32> to vector<16x512xbf16>
    %convert_element_type3A_69 = arith.extf %convert_element_type3A_68 : vector<16x512xbf16> to vector<16x512xf32>
    %dot_general3A_70 = arith.constant dense<0.000000e+00> : vector<512x512xf32>
    %dot_general3A_71 = tpu.matmul %convert_element_type3A_64, %convert_element_type3A_69, %dot_general3A_70 {dimension_numbers = #tpu.dot_dimension_numbers<[1], [0], [0], [1], [0, 0, 1, 1], [], []>, transpose_lhs_hint = false} : vector<512x16xf32>, vector<16x512xf32>, vector<512x512xf32> -> vector<512x512xf32>
    %add3A_72 = arith.addf %add3A, %dot_general3A_71 : vector<512x512xf32>
    %sub3A_73 = vector.broadcast %mul3A_15 : vector<512x1xf32> to vector<512x16xf32>
    %sub3A_74 = arith.subf %sub3A_38, %sub3A_73 : vector<512x16xf32>
    %convert_element_type3A_75 = arith.truncf %sub3A_74 : vector<512x16xf32> to vector<512x16xbf16>
    %convert_element_type3A_76 = arith.extf %convert_element_type3A_75 : vector<512x16xbf16> to vector<512x16xf32>
    %get3A_77 = arith.constant 0 : index
    %get3A_78 = arith.constant 0 : index
    %get3A_79 = vector.load %arg8[%get3A_77, %get3A_78] : memref<16x512xf32, #tpu.memory_space<vmem>>, vector<16x512xf32>
    %convert_element_type3A_80 = arith.truncf %get3A_79 : vector<16x512xf32> to vector<16x512xbf16>
    %convert_element_type3A_81 = arith.extf %convert_element_type3A_80 : vector<16x512xbf16> to vector<16x512xf32>
    %dot_general3A_82 = arith.constant dense<0.000000e+00> : vector<512x512xf32>
    %dot_general3A_83 = tpu.matmul %convert_element_type3A_76, %convert_element_type3A_81, %dot_general3A_82 {dimension_numbers = #tpu.dot_dimension_numbers<[1], [0], [0], [1], [0, 0, 1, 1], [], []>, transpose_lhs_hint = false} : vector<512x16xf32>, vector<16x512xf32>, vector<512x512xf32> -> vector<512x512xf32>
    %add3A_84 = arith.addf %add3A_72, %dot_general3A_83 : vector<512x512xf32>
    %get3A_85 = arith.constant 0 : index
    %get3A_86 = arith.constant 0 : index
    %get3A_87 = vector.load %arg4[%get3A_85, %get3A_86] : memref<512x16xf32, #tpu.memory_space<vmem>>, vector<512x16xf32>
    %convert_element_type3A_88 = arith.truncf %get3A_87 : vector<512x16xf32> to vector<512x16xbf16>
    %convert_element_type3A_89 = arith.extf %convert_element_type3A_88 : vector<512x16xbf16> to vector<512x16xf32>
    %get3A_90 = arith.constant 0 : index
    %get3A_91 = arith.constant 0 : index
    %get3A_92 = vector.load %arg9[%get3A_90, %get3A_91] : memref<16x512xf32, #tpu.memory_space<vmem>>, vector<16x512xf32>
    %convert_element_type3A_93 = arith.truncf %get3A_92 : vector<16x512xf32> to vector<16x512xbf16>
    %convert_element_type3A_94 = arith.extf %convert_element_type3A_93 : vector<16x512xbf16> to vector<16x512xf32>
    %dot_general3A_95 = arith.constant dense<0.000000e+00> : vector<512x512xf32>
    %dot_general3A_96 = tpu.matmul %convert_element_type3A_89, %convert_element_type3A_94, %dot_general3A_95 {dimension_numbers = #tpu.dot_dimension_numbers<[1], [0], [0], [1], [0, 0, 1, 1], [], []>, transpose_lhs_hint = false} : vector<512x16xf32>, vector<16x512xf32>, vector<512x512xf32> -> vector<512x512xf32>
    %add3A_97 = arith.addf %add3A_84, %dot_general3A_96 : vector<512x512xf32>
    %get3A_98 = arith.constant 0 : index
    %get3A_99 = arith.constant 0 : index
    %get3A_100 = vector.load %arg10[%get3A_98, %get3A_99] : memref<1x512xf32, #tpu.memory_space<vmem>>, vector<1x512xf32>
    %add3A_101 = vector.broadcast %get3A_100 : vector<1x512xf32> to vector<512x512xf32>
    %add3A_102 = arith.addf %add3A_97, %add3A_101 : vector<512x512xf32>
    %integer_pow3A = arith.mulf %add3A_102, %add3A_102 : vector<512x512xf32>
    %integer_pow3A_103 = arith.mulf %add3A_102, %integer_pow3A : vector<512x512xf32>
    %mul3A_104 = arith.constant 4.471500e-02 : f32
    %mul3A_105 = vector.broadcast %mul3A_104 : f32 to vector<512x512xf32>
    %mul3A_106 = arith.mulf %mul3A_105, %integer_pow3A_103 : vector<512x512xf32>
    %add3A_107 = arith.addf %add3A_102, %mul3A_106 : vector<512x512xf32>
    %mul3A_108 = arith.constant 0.797884583 : f32
    %mul3A_109 = vector.broadcast %mul3A_108 : f32 to vector<512x512xf32>
    %mul3A_110 = arith.mulf %mul3A_109, %add3A_107 : vector<512x512xf32>
    %tanh3A = math.tanh %mul3A_110 : vector<512x512xf32>
    %add3A_111 = arith.constant 1.000000e+00 : f32
    %add3A_112 = vector.broadcast %add3A_111 : f32 to vector<512x512xf32>
    %add3A_113 = arith.addf %add3A_112, %tanh3A : vector<512x512xf32>
    %mul3A_114 = arith.constant 5.000000e-01 : f32
    %mul3A_115 = vector.broadcast %mul3A_114 : f32 to vector<512x512xf32>
    %mul3A_116 = arith.mulf %mul3A_115, %add3A_113 : vector<512x512xf32>
    %mul3A_117 = arith.mulf %add3A_102, %mul3A_116 : vector<512x512xf32>
    %convert_element_type3A_118 = arith.truncf %mul3A_117 : vector<512x512xf32> to vector<512x512xbf16>
    %convert_element_type3A_119 = arith.extf %convert_element_type3A_118 : vector<512x512xbf16> to vector<512x512xf32>
    %slice3A = vector.extract_strided_slice %convert_element_type3A_119 {offsets = [0, 0], sizes = [512, 32], strides = [1, 1]} : vector<512x512xf32> to vector<512x32xf32>
    %slice3A_120 = vector.extract_strided_slice %convert_element_type3A_119 {offsets = [0, 32], sizes = [512, 32], strides = [1, 1]} : vector<512x512xf32> to vector<512x32xf32>
    %add3A_121 = arith.addf %slice3A, %slice3A_120 : vector<512x32xf32>
    %slice3A_122 = vector.extract_strided_slice %convert_element_type3A_119 {offsets = [0, 64], sizes = [512, 32], strides = [1, 1]} : vector<512x512xf32> to vector<512x32xf32>
    %add3A_123 = arith.addf %add3A_121, %slice3A_122 : vector<512x32xf32>
    %slice3A_124 = vector.extract_strided_slice %convert_element_type3A_119 {offsets = [0, 96], sizes = [512, 32], strides = [1, 1]} : vector<512x512xf32> to vector<512x32xf32>
    %add3A_125 = arith.addf %add3A_123, %slice3A_124 : vector<512x32xf32>
    %slice3A_126 = vector.extract_strided_slice %convert_element_type3A_119 {offsets = [0, 128], sizes = [512, 32], strides = [1, 1]} : vector<512x512xf32> to vector<512x32xf32>
    %add3A_127 = arith.addf %add3A_125, %slice3A_126 : vector<512x32xf32>
    %slice3A_128 = vector.extract_strided_slice %convert_element_type3A_119 {offsets = [0, 160], sizes = [512, 32], strides = [1, 1]} : vector<512x512xf32> to vector<512x32xf32>
    %add3A_129 = arith.addf %add3A_127, %slice3A_128 : vector<512x32xf32>
    %slice3A_130 = vector.extract_strided_slice %convert_element_type3A_119 {offsets = [0, 192], sizes = [512, 32], strides = [1, 1]} : vector<512x512xf32> to vector<512x32xf32>
    %add3A_131 = arith.addf %add3A_129, %slice3A_130 : vector<512x32xf32>
    %slice3A_132 = vector.extract_strided_slice %convert_element_type3A_119 {offsets = [0, 224], sizes = [512, 32], strides = [1, 1]} : vector<512x512xf32> to vector<512x32xf32>
    %add3A_133 = arith.addf %add3A_131, %slice3A_132 : vector<512x32xf32>
    %slice3A_134 = vector.extract_strided_slice %convert_element_type3A_119 {offsets = [0, 256], sizes = [512, 32], strides = [1, 1]} : vector<512x512xf32> to vector<512x32xf32>
    %add3A_135 = arith.addf %add3A_133, %slice3A_134 : vector<512x32xf32>
    %slice3A_136 = vector.extract_strided_slice %convert_element_type3A_119 {offsets = [0, 288], sizes = [512, 32], strides = [1, 1]} : vector<512x512xf32> to vector<512x32xf32>
    %add3A_137 = arith.addf %add3A_135, %slice3A_136 : vector<512x32xf32>
    %slice3A_138 = vector.extract_strided_slice %convert_element_type3A_119 {offsets = [0, 320], sizes = [512, 32], strides = [1, 1]} : vector<512x512xf32> to vector<512x32xf32>
    %add3A_139 = arith.addf %add3A_137, %slice3A_138 : vector<512x32xf32>
    %slice3A_140 = vector.extract_strided_slice %convert_element_type3A_119 {offsets = [0, 352], sizes = [512, 32], strides = [1, 1]} : vector<512x512xf32> to vector<512x32xf32>
    %add3A_141 = arith.addf %add3A_139, %slice3A_140 : vector<512x32xf32>
    %slice3A_142 = vector.extract_strided_slice %convert_element_type3A_119 {offsets = [0, 384], sizes = [512, 32], strides = [1, 1]} : vector<512x512xf32> to vector<512x32xf32>
    %add3A_143 = arith.addf %add3A_141, %slice3A_142 : vector<512x32xf32>
    %slice3A_144 = vector.extract_strided_slice %convert_element_type3A_119 {offsets = [0, 416], sizes = [512, 32], strides = [1, 1]} : vector<512x512xf32> to vector<512x32xf32>
    %add3A_145 = arith.addf %add3A_143, %slice3A_144 : vector<512x32xf32>
    %slice3A_146 = vector.extract_strided_slice %convert_element_type3A_119 {offsets = [0, 448], sizes = [512, 32], strides = [1, 1]} : vector<512x512xf32> to vector<512x32xf32>
    %add3A_147 = arith.addf %add3A_145, %slice3A_146 : vector<512x32xf32>
    %slice3A_148 = vector.extract_strided_slice %convert_element_type3A_119 {offsets = [0, 480], sizes = [512, 32], strides = [1, 1]} : vector<512x512xf32> to vector<512x32xf32>
    %add3A_149 = arith.addf %add3A_147, %slice3A_148 : vector<512x32xf32>
    %mul3A_150 = arith.constant 6.250000e-02 : f32
    %mul3A_151 = vector.broadcast %mul3A_150 : f32 to vector<512x32xf32>
    %mul3A_152 = arith.mulf %add3A_149, %mul3A_151 : vector<512x32xf32>
    %get3A_153 = arith.constant 0 : index
    %get3A_154 = arith.constant 0 : index
    %get3A_155 = vector.load %arg11[%get3A_153, %get3A_154] : memref<32x16xf32, #tpu.memory_space<vmem>>, vector<32x16xf32>
    %convert_element_type3A_156 = arith.truncf %get3A_155 : vector<32x16xf32> to vector<32x16xbf16>
    %convert_element_type3A_157 = arith.extf %convert_element_type3A_156 : vector<32x16xbf16> to vector<32x16xf32>
    %dot_general3A_158 = arith.constant dense<0.000000e+00> : vector<512x16xf32>
    %dot_general3A_159 = tpu.matmul %mul3A_152, %convert_element_type3A_157, %dot_general3A_158 {dimension_numbers = #tpu.dot_dimension_numbers<[1], [0], [0], [1], [0, 0, 1, 1], [], []>, precision = #tpu.contract_precision<fp32>, transpose_lhs_hint = false} : vector<512x32xf32>, vector<32x16xf32>, vector<512x16xf32> -> vector<512x16xf32>
    %get3A_160 = arith.constant 0 : index
    %get3A_161 = arith.constant 0 : index
    %get3A_162 = vector.load %arg12[%get3A_160, %get3A_161] : memref<1x16xf32, #tpu.memory_space<vmem>>, vector<1x16xf32>
    %add3A_163 = vector.broadcast %get3A_162 : vector<1x16xf32> to vector<512x16xf32>
    %add3A_164 = arith.addf %dot_general3A_159, %add3A_163 : vector<512x16xf32>
    %convert_element_type3A_165 = arith.truncf %add3A_164 : vector<512x16xf32> to vector<512x16xbf16>
    %convert_element_type3A_166 = arith.extf %convert_element_type3A_165 : vector<512x16xbf16> to vector<512x16xf32>
    %get3A_167 = arith.constant 0 : index
    %get3A_168 = arith.constant 0 : index
    %get3A_169 = vector.load %arg13[%get3A_167, %get3A_168] : memref<16x32xf32, #tpu.memory_space<vmem>>, vector<16x32xf32>
    %convert_element_type3A_170 = arith.truncf %get3A_169 : vector<16x32xf32> to vector<16x32xbf16>
    %convert_element_type3A_171 = arith.extf %convert_element_type3A_170 : vector<16x32xbf16> to vector<16x32xf32>
    %dot_general3A_172 = arith.constant dense<0.000000e+00> : vector<512x32xf32>
    %dot_general3A_173 = tpu.matmul %convert_element_type3A_166, %convert_element_type3A_171, %dot_general3A_172 {dimension_numbers = #tpu.dot_dimension_numbers<[1], [0], [0], [1], [0, 0, 1, 1], [], []>, precision = #tpu.contract_precision<fp32>, transpose_lhs_hint = false} : vector<512x16xf32>, vector<16x32xf32>, vector<512x32xf32> -> vector<512x32xf32>
    %get3A_174 = arith.constant 0 : index
    %get3A_175 = arith.constant 0 : index
    %get3A_176 = vector.load %arg14[%get3A_174, %get3A_175] : memref<1x32xf32, #tpu.memory_space<vmem>>, vector<1x32xf32>
    %add3A_177 = vector.broadcast %get3A_176 : vector<1x32xf32> to vector<512x32xf32>
    %add3A_178 = arith.addf %dot_general3A_173, %add3A_177 : vector<512x32xf32>
    %integer_pow3A_179 = arith.mulf %add3A_178, %add3A_178 : vector<512x32xf32>
    %integer_pow3A_180 = arith.mulf %add3A_178, %integer_pow3A_179 : vector<512x32xf32>
    %mul3A_181 = arith.constant 4.471500e-02 : f32
    %mul3A_182 = vector.broadcast %mul3A_181 : f32 to vector<512x32xf32>
    %mul3A_183 = arith.mulf %mul3A_182, %integer_pow3A_180 : vector<512x32xf32>
    %add3A_184 = arith.addf %add3A_178, %mul3A_183 : vector<512x32xf32>
    %mul3A_185 = arith.constant 0.797884583 : f32
    %mul3A_186 = vector.broadcast %mul3A_185 : f32 to vector<512x32xf32>
    %mul3A_187 = arith.mulf %mul3A_186, %add3A_184 : vector<512x32xf32>
    %tanh3A_188 = math.tanh %mul3A_187 : vector<512x32xf32>
    %add3A_189 = arith.constant 1.000000e+00 : f32
    %add3A_190 = vector.broadcast %add3A_189 : f32 to vector<512x32xf32>
    %add3A_191 = arith.addf %add3A_190, %tanh3A_188 : vector<512x32xf32>
    %mul3A_192 = arith.constant 5.000000e-01 : f32
    %mul3A_193 = vector.broadcast %mul3A_192 : f32 to vector<512x32xf32>
    %mul3A_194 = arith.mulf %mul3A_193, %add3A_191 : vector<512x32xf32>
    %mul3A_195 = arith.mulf %add3A_178, %mul3A_194 : vector<512x32xf32>
    %convert_element_type3A_196 = arith.truncf %mul3A_195 : vector<512x32xf32> to vector<512x32xbf16>
    %convert_element_type3A_197 = arith.extf %convert_element_type3A_196 : vector<512x32xbf16> to vector<512x32xf32>
    %get3A_198 = arith.constant 0 : index
    %get3A_199 = arith.constant 0 : index
    %get3A_200 = vector.load %arg15[%get3A_198, %get3A_199] : memref<32x16xf32, #tpu.memory_space<vmem>>, vector<32x16xf32>
    %convert_element_type3A_201 = arith.truncf %get3A_200 : vector<32x16xf32> to vector<32x16xbf16>
    %convert_element_type3A_202 = arith.extf %convert_element_type3A_201 : vector<32x16xbf16> to vector<32x16xf32>
    %dot_general3A_203 = arith.constant dense<0.000000e+00> : vector<512x16xf32>
    %dot_general3A_204 = tpu.matmul %convert_element_type3A_197, %convert_element_type3A_202, %dot_general3A_203 {dimension_numbers = #tpu.dot_dimension_numbers<[1], [0], [0], [1], [0, 0, 1, 1], [], []>, precision = #tpu.contract_precision<fp32>, transpose_lhs_hint = false} : vector<512x32xf32>, vector<32x16xf32>, vector<512x16xf32> -> vector<512x16xf32>
    %get3A_205 = arith.constant 0 : index
    %get3A_206 = arith.constant 0 : index
    %get3A_207 = vector.load %arg16[%get3A_205, %get3A_206] : memref<1x16xf32, #tpu.memory_space<vmem>>, vector<1x16xf32>
    %add3A_208 = vector.broadcast %get3A_207 : vector<1x16xf32> to vector<512x16xf32>
    %add3A_209 = arith.addf %dot_general3A_204, %add3A_208 : vector<512x16xf32>
    %swap3A = arith.constant 0 : index
    %swap3A_210 = arith.constant 0 : index
    %swap3A_211 = vector.load %arg17[%swap3A, %swap3A_210] : memref<512x16xf32, #tpu.memory_space<vmem>>, vector<512x16xf32>
    tpu.vector_store %arg17[%swap3A, %swap3A_210], %add3A_209 {strides = array<i32>} : memref<512x16xf32, #tpu.memory_space<vmem>>, vector<512x16xf32>,
    return
  }
  func.func @transform_0(%arg0: i32) -> (i32, i32) {
    %c0_i32 = arith.constant 0 : i32
    %c0_i32_0 = arith.constant 0 : i32
    return %arg0, %c0_i32 : i32, i32
  }
  func.func @transform_1(%arg0: i32) -> (i32, i32) {
    %c0_i32 = arith.constant 0 : i32
    %c0_i32_0 = arith.constant 0 : i32
    return %arg0, %c0_i32 : i32, i32
  }
  func.func @transform_2(%arg0: i32) -> (i32, i32) {
    %c0_i32 = arith.constant 0 : i32
    %c0_i32_0 = arith.constant 0 : i32
    return %arg0, %c0_i32 : i32, i32
  }
  func.func @transform_3(%arg0: i32) -> (i32, i32) {
    %c0_i32 = arith.constant 0 : i32
    %c0_i32_0 = arith.constant 0 : i32
    return %arg0, %c0_i32 : i32, i32
  }
  func.func @transform_4(%arg0: i32) -> (i32, i32) {
    %c0_i32 = arith.constant 0 : i32
    %c0_i32_0 = arith.constant 0 : i32
    %c0_i32_1 = arith.constant 0 : i32
    return %c0_i32, %c0_i32_0 : i32, i32
  }
  func.func @transform_5(%arg0: i32) -> (i32, i32) {
    %c0_i32 = arith.constant 0 : i32
    %c0_i32_0 = arith.constant 0 : i32
    %c0_i32_1 = arith.constant 0 : i32
    return %c0_i32, %c0_i32_0 : i32, i32
  }
  func.func @transform_6(%arg0: i32) -> (i32, i32) {
    %c0_i32 = arith.constant 0 : i32
    %c0_i32_0 = arith.constant 0 : i32
    %c0_i32_1 = arith.constant 0 : i32
    return %c0_i32, %c0_i32_0 : i32, i32
  }
  func.func @transform_7(%arg0: i32) -> (i32, i32) {
    %c0_i32 = arith.constant 0 : i32
    %c0_i32_0 = arith.constant 0 : i32
    %c0_i32_1 = arith.constant 0 : i32
    return %c0_i32, %c0_i32_0 : i32, i32
  }
  func.func @transform_8(%arg0: i32) -> (i32, i32) {
    %c0_i32 = arith.constant 0 : i32
    %c0_i32_0 = arith.constant 0 : i32
    %c0_i32_1 = arith.constant 0 : i32
    return %c0_i32, %c0_i32_0 : i32, i32
  }
  func.func @transform_9(%arg0: i32) -> (i32, i32) {
    %c0_i32 = arith.constant 0 : i32
    %c0_i32_0 = arith.constant 0 : i32
    %c0_i32_1 = arith.constant 0 : i32
    return %c0_i32, %c0_i32_0 : i32, i32
  }
  func.func @transform_10(%arg0: i32) -> (i32, i32) {
    %c0_i32 = arith.constant 0 : i32
    %c0_i32_0 = arith.constant 0 : i32
    %c0_i32_1 = arith.constant 0 : i32
    return %c0_i32, %c0_i32_0 : i32, i32
  }
  func.func @transform_11(%arg0: i32) -> (i32, i32) {
    %c0_i32 = arith.constant 0 : i32
    %c0_i32_0 = arith.constant 0 : i32
    %c0_i32_1 = arith.constant 0 : i32
    return %c0_i32, %c0_i32_0 : i32, i32
  }
  func.func @transform_12(%arg0: i32) -> (i32, i32) {
    %c0_i32 = arith.constant 0 : i32
    %c0_i32_0 = arith.constant 0 : i32
    %c0_i32_1 = arith.constant 0 : i32
    return %c0_i32, %c0_i32_0 : i32, i32
  }
  func.func @transform_13(%arg0: i32) -> (i32, i32) {
    %c0_i32 = arith.constant 0 : i32
    %c0_i32_0 = arith.constant 0 : i32
    %c0_i32_1 = arith.constant 0 : i32
    return %c0_i32, %c0_i32_0 : i32, i32
  }
  func.func @transform_14(%arg0: i32) -> (i32, i32) {
    %c0_i32 = arith.constant 0 : i32
    %c0_i32_0 = arith.constant 0 : i32
    %c0_i32_1 = arith.constant 0 : i32
    return %c0_i32, %c0_i32_0 : i32, i32
  }
  func.func @transform_15(%arg0: i32) -> (i32, i32) {
    %c0_i32 = arith.constant 0 : i32
    %c0_i32_0 = arith.constant 0 : i32
    %c0_i32_1 = arith.constant 0 : i32
    return %c0_i32, %c0_i32_0 : i32, i32
  }
  func.func @transform_16(%arg0: i32) -> (i32, i32) {
    %c0_i32 = arith.constant 0 : i32
    %c0_i32_0 = arith.constant 0 : i32
    return %arg0, %c0_i32 : i32, i32
  }
}

</mosaic_0001>

<sc_bundles>
// kernel: kernel.11.cloned.1.call-start
scs
__scs_entry_jumppad:
0x0: {  	(pc) =	sbr.rel $0x88, $3  }
0x1: {  	(tag) =	ssettag $0x0;
	lr =	simm.s32 $0x1  }
0x2: {  	[smem:$0x3F96] =	sst lr;
	_ =	strace $0xD0000000  }
0x3: {  	_ = 	snop  }
0x4: {  	_ = 	snop  }
0x5: {  	_ = 	snop  }
0x6: {  	_ = 	snop  }
0x7: {  	_ = 	snop  }
__scs_overlays_trampoline_lowered:
0x8: {  	[smem:$0x3FA5] =	sst s0  }
0x9: {  	[smem:$0x3FA6] =	sst s1  }
0xa: {  	[smem:$0x3FA7] =	sst s2  }
0xb: {  	[smem:$0x3FA8] =	sst s3  }
0xc: {  	[smem:$0x3FA9] =	sst s4  }
0xd: {  	[smem:$0x3FAA] =	sst s5  }
0xe: {  	[smem:$0x3FAB] =	sst s6  }
0xf: {  	[smem:$0x3FAC] =	sst s7  }
0x10: {  	[smem:$0x3FAD] =	sst s8  }
0x11: {  	[smem:$0x3FAE] =	sst s9;
	s0 =	simm.s32 @!p0 $0x0  }
0x12: {  	s1 =	sld [smem:$0x3F94];
	s0 =	simm.s32 @p0 $0x1  }
0x13: {  	[smem:$0x3FAF] =	sst s0;
	s0 =	simm.s32 @!p1 $0x0  }
0x14: {  	s2 =	sld [smem:$0x3F93];
	s0 =	simm.s32 @p1 $0x1  }
0x15: {  	[smem:$0x3FB0] =	sst s0;
	s0 =	simm.s32 @!p2 $0x0  }
0x16: {  	s3 =	sld [smem:$0x3FDB];
	s0 =	simm.s32 @p2 $0x1  }
0x17: {  	s4 =	simm.s32 $0x1BF5;
	[smem:$0x3FB2] =	sst s0  }
0x18: {  	s0 =	sld [smem:$0x3F95];
	_ =	swait.ge [sflag:s4], $0x0  }
0x19: {  	s7 =	sld [smem:$0x3F96]  }
0x1a: {  	s8 =	sadd.s32 $0xFFFFE003, lr  }
0x1b: {  	s9 =	sadd.s32 $0xFFFFFEF7, lr;
	s5 =	simm.s32 $0xFFFFFFFF;
	p2 =	slt.u32 s8, $0xFFFFF086  }
0x1c: {  	p1 =	slt.u32 s9, $0xF7A;
	s5 =	simm.s32 @!p2 $0x0  }
0x1d: {  	s5 =	simm.s32 @p1 $0x1;
	p0 =	seq.s32 s7, s2  }
0x1e: {  	s7 =	smul.u32 @!p0 $0xF7A, s2;
	p2 =	seq.s32 @!p0 s5, $0x0  }
0x1f: {  	s9 =	smul.u32 $0xF7A, s1;
	s8 =	simm.s32 @!p0 $0x1BF5;
	p2 =	por !p2, p0  }
0x20: {  	[sflag:s8] =	ssyncset.s32 @!p0 $0xFFFFF086;
	s6 =	sadd.s32 @!p0 s3, s7;
	s7 =	simm.s32 @!p0 $0x108  }
0x21: {  	s3 =	sadd.s32 s3, s9;
	s6 =	sadd.s32 @!p0 $0x88, s6;
	s7 =	simm.s32 @p2 $0x1082  }
0x22: {  	[simem:s7], [sflag:s8] =	dma.local @!p0 [hbm:s6], $0xF7A  }
0x23: {  	s9 =	sor.u32 $0xD0000000, s2;
	s6 =	simm.s32 $0x108;
	_ =	swait.ge @!p0 [sflag:s8], $0x0  }
0x24: {  	s3 =	sadd.s32 $0x88, s3;
	s6 =	simm.s32 @!p1 $0x1082;
	[sflag:s4] =	ssyncset.s32 $0xFFFFF086  }
0x25: {  	[simem:s6], [sflag:s4] =	dma.local [hbm:s3], $0xF7A  }
0x26: {  	[smem:$0x3F96] =	sst s1;
	(tag) =	ssettag s2;
	_ =	strace s9  }
0x27: {  	s1 =	sld [smem:$0x3FA6]  }
0x28: {  	s2 =	sld [smem:$0x3FA7]  }
0x29: {  	s4 =	sld [smem:$0x3FA9]  }
0x2a: {  	p0 =	seq.s32 s5, $0x0;
	s5 =	sld [smem:$0x3FAA]  }
0x2b: {  	s6 =	sld [smem:$0x3FAB]  }
0x2c: {  	s7 =	sld [smem:$0x3FAC]  }
0x2d: {  	s3 =	simm.s32 $0x108;
	s8 =	sld [smem:$0x3FAD]  }
0x2e: {  	s3 =	simm.s32 @!p0 $0x1082;
	s9 =	sld [smem:$0x3FAE]  }
0x2f: {  	lr =	sadd.s32 s0, s3;
	s0 =	sld [smem:$0x3FA5]  }
0x30: {  	s3 =	sld [smem:$0x3FA8]  }
0x31: {  	[smem:$0x3FB1] =	sst s10  }
0x32: {  	s10 =	sld [smem:$0x3FAF];
	_ =	sdelay $0x3  }
0x33: {  	p0 =	seq.s32 s10, $0x1;
	s10 =	sld [smem:$0x3FB1];
	_ =	sdelay $0x3  }
0x34: {  	[smem:$0x3FB1] =	sst s10  }
0x35: {  	s10 =	sld [smem:$0x3FB0];
	_ =	sdelay $0x3  }
0x36: {  	p1 =	seq.s32 s10, $0x1;
	s10 =	sld [smem:$0x3FB1];
	_ =	sdelay $0x3  }
0x37: {  	[smem:$0x3FB1] =	sst s10  }
0x38: {  	s10 =	sld [smem:$0x3FB2]  }
0x39: {  	_ = 	snop;
	(pc) =	sbr.ind lr, $3  }
0x3a: {  	_ = 	snop  }
0x3b: {  	_ = 	snop  }
0x3c: {  	p2 =	seq.s32 s10, $0x1;
	s10 =	sld [smem:$0x3FB1]  }
0x3d: {  	_ =	shalt  }
0x3e: {  	_ =	shalt  }
0x3f: {  	_ =	shalt  }
0x40: {  	_ =	shalt  }
0x41: {  	_ =	shalt  }
0x42: {  	_ =	shalt  }
0x43: {  	_ =	shalt  }
0x44: {  	_ =	shalt  }
0x45: {  	_ =	shalt  }
0x46: {  	_ =	shalt  }
0x47: {  	_ =	shalt  }
0x48: {  	_ =	shalt  }
0x49: {  	_ =	shalt  }
0x4a: {  	_ =	shalt  }
0x4b: {  	_ =	shalt  }
0x4c: {  	_ =	shalt  }
0x4d: {  	_ =	shalt  }
0x4e: {  	_ =	shalt  }
0x4f: {  	_ =	shalt  }
0x50: {  	_ =	shalt  }
0x51: {  	_ =	shalt  }
0x52: {  	_ =	shalt  }
0x53: {  	_ =	shalt  }
0x54: {  	_ =	shalt  }
0x55: {  	_ =	shalt  }
0x56: {  	_ =	shalt  }
0x57: {  	_ =	shalt  }
0x58: {  	_ =	shalt  }
0x59: {  	_ =	shalt  }
0x5a: {  	_ =	shalt  }
0x5b: {  	_ =	shalt  }
0x5c: {  	_ =	shalt  }
0x5d: {  	_ =	shalt  }
0x5e: {  	_ =	shalt  }
0x5f: {  	_ =	shalt  }
0x60: {  	_ =	shalt  }
0x61: {  	_ =	shalt  }
0x62: {  	_ =	shalt  }
0x63: {  	_ =	shalt  }
0x64: {  	_ =	shalt  }
0x65: {  	_ =	shalt  }
0x66: {  	_ =	shalt  }
0x67: {  	_ =	shalt  }
0x68: {  	_ =	shalt  }
0x69: {  	_ =	shalt  }
0x6a: {  	_ =	shalt  }
0x6b: {  	_ =	shalt  }
0x6c: {  	_ =	shalt  }
0x6d: {  	_ =	shalt  }
0x6e: {  	_ =	shalt  }
0x6f: {  	_ =	shalt  }
0x70: {  	_ =	shalt  }
0x71: {  	_ =	shalt  }
0x72: {  	_ =	shalt  }
0x73: {  	_ =	shalt  }
0x74: {  	_ =	shalt  }
0x75: {  	_ =	shalt  }
0x76: {  	_ =	shalt  }
0x77: {  	_ =	shalt  }
0x78: {  	_ =	shalt  }
0x79: {  	_ =	shalt  }
0x7a: {  	_ =	shalt  }
0x7b: {  	_ =	shalt  }
0x7c: {  	_ =	shalt  }
0x7d: {  	_ =	shalt  }
0x7e: {  	_ =	shalt  }
0x7f: {  	_ =	shalt  }
0x80: {  	_ =	shalt  }
0x81: {  	_ =	shalt  }
0x82: {  	_ =	shalt  }
0x83: {  	_ =	shalt  }
0x84: {  	_ =	shalt  }
0x85: {  	_ =	shalt  }
0x86: {  	_ =	shalt  }
0x87: {  	_ =	shalt  }
.Lfunc_end0:
.L_simem_size_0:
called_computation.1_lowered:
.L_overlay_start_0:
0x88: {  	s2 =	sld [smem:$0x3FD9]  }
0x89: {  	s3 =	sld [smem:$0x3FFE];
	_ =	sdelay $0x1  }
0x8a: {  	s1 =	srdreg.scid  }
0x8b: {  	s0 =	sand.u32 $0x1, s1  }
0x8c: {  	s17 =	sshll.u32 s0, $0xA;
	s2 =	sadd.s32 s3, s2  }
0x8d: {  	s2 =	sadd.s32 s2, s17  }
0x8e: {  	[smem:$0x3FBD] =	sst s2  }
0x8f: {  	_ = 	snop  }
0x90: {  	s2 =	sld [smem:$0x3FD0];
	(tm) =	ssettm $0x1  }
0x91: {  	s18 =	sld [smem:$0x3FFB];
	_ =	sdelay $0x3  }
0x92: {  	_ =	strace s18  }
0x93: {  	s3 =	sld [smem:$0x3FFC];
	_ =	sdelay $0x3  }
0x94: {  	_ =	strace s3  }
0x95: {  	s3 =	sld [smem:$0x3FFD];
	_ =	sdelay $0x3  }
0x96: {  	_ =	strace s3  }
0x97: {  	_ =	strace $0x8FFFFFFF  }
0x98: {  	s19 =	sld [smem:$0x3FDB];
	_ =	sdelay $0x1  }
0x99: {  	s4 =	simm.s32 $_scs_section_size  }
0x9a: {  	s5 =	simm.s32 $_size__tile_overlayer_lowered;
	s6 =	simm.s32 $_tile_overlayer_lowered  }
0x9b: {  	s22 =	simm.s32 $0x1BFF;
	s21 =	sshll.u32 s6, $0x1;
	s3 =	sadd.s32 s4, s19  }
0x9c: {  	s7 =	simm.s32 $0x0;
	s20 =	sshll.u32 s5, $0x1;
	s5 =	sadd.s32 s21, s3  }
0x9d: {  	[timem:s7], [sflag:s22] =	dma.local [hbm:s5], s20  }
0x9e: {  	_ =	swait.ge [sflag:s22], s20  }
0x9f: {  	s4 =	ssub.s32 $0x0, s20;
	[sflag:s22] =	ssyncset.done $0x0  }
0xa0: {  	[sflag:s22] =	ssyncadd.s32 s4;
	_ =	sdelay $0x1  }
0xa1: {  	s23 =	simm.s32 $0x1B8B  }
0xa2: {  	_ =	swait.ge [sflag:s23], $0x1  }
0xa3: {  	[sflag:s23] =	ssyncset.done $0x0  }
0xa4: {  	s25 =	simm.s32 $0x1B8E;
	s24 =	sld [smem:$0x3FFE];
	[sflag:s23] =	ssyncadd.s32 $0xFFFFFFFF  }
0xa5: {  	s26 =	simm.s32 $execute0_lowered;
	[smem:$0x3FD2] =	sst s25  }
0xa6: {  	s5 =	sshll.u32 s26, $0x1;
	_ =	strace $0x80000046;
	[dreg:$0x1] =	wrdreg $0xFFFFFFFF  }
0xa7: {  	s28 =	simm.s32 $_size_execute0_lowered;
	s3 =	sadd.s32 s3, s5;
	[dreg:$0x0] =	wrdreg $0x0  }
0xa8: {  	s5 =	sshll.u32 s28, $0x1;
	[dreg:$0x2] =	wrdreg s3  }
0xa9: {  	[dreg:$0x3] =	wrdreg s5  }
0xaa: {  	[dreg:$0x4] =	wrdreg $0xC0  }
0xab: {  	_ =	task [dreg:s7], $0x5FFFF  }
0xac: {  	[dreg:$0x1] =	wrdreg $0xFFFFFFFF  }
0xad: {  	[dreg:$0x0] =	wrdreg $0x60  }
0xae: {  	[dreg:$0x2] =	wrdreg s2  }
0xaf: {  	[dreg:$0x3] =	wrdreg s24  }
0xb0: {  	[dreg:$0x4] =	wrdreg $0xA  }
0xb1: {  	_ =	task.clear_ibuf [dreg:s7], $0x5FFFF;
	_ =	strace $0x90000046  }
0xb2: {  	s29 =	simm.s32 $0xA;
	_ =	strace $0x80000048  }
0xb3: {  	_ =	swait.ge [sflag:s29], $0x1  }
0xb4: {  	[sflag:s29] =	ssyncadd.s32 $0xFFFFFFFF  }
0xb5: {  	_ =	strace $0x90000048  }
0xb6: {  	_ =	sfence  }
0xb7: {  	s30 =	sld [smem:$0x0];
	_ =	sdelay $0x2  }
0xb8: {  	s31 =	sshll.u32 s1, $0xD;
	s1 =	sshrl.u32 s1, $0x2  }
0xb9: {  	s3 =	sand.u32 $0x4000, s31;
	s1 =	sadd.s32 s1, s30  }
0xba: {  	s0 =	sor.u32 s3, s0;
	s1 =	sshll.u32 s1, $0x11  }
0xbb: {  	s0 =	sor.u32 s1, s0  }
0xbc: {  	s0 =	sadd.s32 $0x8F2B, s0  }
0xbd: {  	[sflag:s0] =	ssyncadd.remote.s32 $0x1  }
0xbe: {  	_ =	sfence.sel $0xFFFF  }
0xbf: {  	[dreg:$0x0] =	wrdreg $0xFFFFFFFF;
	(pc) =	sbr.abs _section_cstart, $3  }
0xc0: {  	[dreg:$0x1] =	wrdreg $0xFFFFFFFF  }
0xc1: {  	_ =	task.clear_ibuf [dreg:s7], $0x2FFFF;
	_ =	strace $0x9FFFFFFF  }
0xc2: {  	(tm) =	ssettm $0x7FFFFFFF  }
0xc3: {  	_ =	shalt  }
tec
execute0_lowered:
.L_overlay_start_1:
0x0: {  	(tag) =	ssettag $0x1  }
0x1: {  	s2 =	rddreg [dreg:$0x0]  }
0x2: {  	s4 =	rddreg [dreg:$0x1]  }
0x3: {  	s0 =	rddreg [dreg:$0x2]  }
0x4: {  	s1 =	stileid.u32;
	s6 =	srdreg.scid;
	s3 =	simm.s32 $0x0  }
0x5: {  	s11 =	simm.s32 $0x100;
	s12 =	simm.s32 $0x1380;
	s13 =	simm.s32 $0x180  }
0x6: {  	s14 =	simm.s32 $0x1B80;
	s15 =	simm.s32 $0x200;
	s16 =	simm.s32 $0x2380  }
0x7: {  	s17 =	simm.s32 $0x280;
	s18 =	simm.s32 $0x2B80;
	s19 =	simm.s32 $0x300  }
0x8: {  	s20 =	simm.s32 $0x3380;
	s21 =	simm.s32 $0x1;
	s5 =	smul.u32 $0xC40, s1  }
0x9: {  	s22 =	simm.s32 $0x0;
	s7 =	smul.u32 $0xC400, s1;
	s6 =	sand.u32 $0x1, s6  }
0xa: {  	[smem:$0x7FF] =	sst s3;
	s8 =	ssub.s32 $0x2, s6;
	s9 =	smul.u32 $0x6200, s6  }
0xb: {  	_ =	strace $0x80000047;
	s6 =	smul.u32 $0x620, s6;
	s10 =	sshrl.u32 s8, $0x1  }
0xc: {  	s5 =	sadd.s32 s5, s4;
	s7 =	sadd.s32 s7, s4;
	s31 =	ssub.s32 s8, s10  }
0xd: {  	s7 =	sadd.s32 s9, s7;
	s6 =	sadd.s32 s6, s5;
	s8 =	simm.s32 $0x80  }
0xe: {  	s9 =	simm.s32 $0x380;
	s10 =	simm.s32 $0xB80;
	s4 =	smax.u32 s31, $0x1  }
0xf: {  	s5 =	sadd.s32 $0x197600, s7;
	s6 =	sadd.s32 $0x18B200, s6;
	s7 =	simm.s32 $0x2  }
.LBB2_1:
0x10: {  	s23 =	sadd.s32 $0x0, s6  }
0x11: {  	[tilespmem:s3], [sflag:$0x2] =	stream.linear.gather [hbm4b:s23+s3], $0x380, $0x38;
	[tilespmem:$0x3B80] =	vst v63  }
0x12: {  	_ =	swait.ge [sflag:s7], $0x380  }
0x13: {  	[sflag:s7] =	ssyncset.done $0x0  }
0x14: {  	[sflag:s7] =	ssyncadd.s32 $0xFFFFFC80  }
0x15: {  	[tilespmem:s9], [sflag:$0x1] =	stream.indirect.gather [hbm4b:s2+s8], $0x10, s3, s8, $0xb8;
	[tilespmem:$0x3B80] =	vst v63  }
0x16: {  	_ = 	snop  }
0x17: {  	[tilespmem:s10], [sflag:$0x1] =	stream.indirect.gather [hbm4b:s2+s8], $0x10, s8, s8, $0xb8;
	[tilespmem:$0x3B80] =	vst v63  }
0x18: {  	_ = 	snop  }
0x19: {  	[tilespmem:s12], [sflag:$0x1] =	stream.indirect.gather [hbm4b:s2+s8], $0x10, s11, s8, $0xb8;
	[tilespmem:$0x3B80] =	vst v63  }
0x1a: {  	_ = 	snop  }
0x1b: {  	[tilespmem:s14], [sflag:$0x1] =	stream.indirect.gather [hbm4b:s2+s8], $0x10, s13, s8, $0xb8;
	[tilespmem:$0x3B80] =	vst v63  }
0x1c: {  	_ = 	snop  }
0x1d: {  	[tilespmem:s16], [sflag:$0x1] =	stream.indirect.gather [hbm4b:s2+s8], $0x10, s15, s8, $0xb8;
	[tilespmem:$0x3B80] =	vst v63  }
0x1e: {  	_ = 	snop  }
0x1f: {  	[tilespmem:s18], [sflag:$0x1] =	stream.indirect.gather [hbm4b:s2+s8], $0x10, s17, s8, $0xb8;
	[tilespmem:$0x3B80] =	vst v63  }
0x20: {  	_ = 	snop  }
0x21: {  	[tilespmem:s20], [sflag:$0x1] =	stream.indirect.gather [hbm4b:s2+s8], $0x10, s19, s8, $0xb8;
	[tilespmem:$0x3B80] =	vst v63  }
0x22: {  	_ =	swait.ge [sflag:s21], $0x800  }
0x23: {  	[sflag:s21] =	ssyncset.done $0x0  }
0x24: {  	[sflag:s21] =	ssyncadd.s32 $0xFFFFF800  }
0x25: {  	_ =	swait.ge [sflag:s21], $0x800  }
0x26: {  	[sflag:s21] =	ssyncset.done $0x0  }
0x27: {  	[sflag:s21] =	ssyncadd.s32 $0xFFFFF800  }
0x28: {  	_ =	swait.ge [sflag:s21], $0x800  }
0x29: {  	[sflag:s21] =	ssyncset.done $0x0  }
0x2a: {  	[sflag:s21] =	ssyncadd.s32 $0xFFFFF800  }
0x2b: {  	_ =	swait.ge [sflag:s21], $0x800  }
0x2c: {  	[sflag:s21] =	ssyncset.done $0x0  }
0x2d: {  	[sflag:s21] =	ssyncadd.s32 $0xFFFFF800  }
0x2e: {  	_ =	swait.ge [sflag:s21], $0x800  }
0x2f: {  	[sflag:s21] =	ssyncset.done $0x0  }
0x30: {  	[sflag:s21] =	ssyncadd.s32 $0xFFFFF800  }
0x31: {  	_ =	swait.ge [sflag:s21], $0x800  }
0x32: {  	[sflag:s21] =	ssyncset.done $0x0  }
0x33: {  	[sflag:s21] =	ssyncadd.s32 $0xFFFFF800  }
0x34: {  	_ =	swait.ge [sflag:s21], $0x800  }
0x35: {  	[sflag:s21] =	ssyncset.done $0x0  }
0x36: {  	[sflag:s21] =	ssyncadd.s32 $0xFFFFF800  }
0x37: {  	[hbm4b:s5+s3] =	stream.linear.scatter [tilespmem:s9], [sflag:$0x2], $0x3800, $0x38;
	[tilespmem:$0x3B80] =	vst v63  }
0x38: {  	s24 =	simm.s32 $0x70;
	_ =	swait.ge [sflag:s7], $0x3800  }
0x39: {  	s26 =	simm.s32 $0xE0;
	s23 =	sadd.s32 $0x700, s5;
	[sflag:s7] =	ssyncset.done $0x0  }
.LBB2_2:
0x3a: {  	s28 =	sadd.s32 s24, s6  }
0x3b: {  	[sflag:s7] =	ssyncadd.s32 $0xFFFFC800;
	s24 =	smov.u32 s26;
	s25 =	sadd.s32 $0x70, s26  }
0x3c: {  	[tilespmem:s3], [sflag:$0x2] =	stream.linear.gather [hbm4b:s28+s3], $0x380, $0x38;
	[tilespmem:$0x3B80] =	vst v63  }
0x3d: {  	p0 =	sne.s32 s26, $0x5B0;
	_ =	swait.ge [sflag:s7], $0x380  }
0x3e: {  	[sflag:s7] =	ssyncset.done $0x0  }
0x3f: {  	[sflag:s7] =	ssyncadd.s32 $0xFFFFFC80  }
0x40: {  	[tilespmem:s9], [sflag:$0x1] =	stream.indirect.gather [hbm4b:s2+s8], $0x10, s3, s8, $0xb8;
	[tilespmem:$0x3B80] =	vst v63  }
0x41: {  	_ = 	snop  }
0x42: {  	[tilespmem:s10], [sflag:$0x1] =	stream.indirect.gather [hbm4b:s2+s8], $0x10, s8, s8, $0xb8;
	[tilespmem:$0x3B80] =	vst v63  }
0x43: {  	_ = 	snop  }
0x44: {  	[tilespmem:s12], [sflag:$0x1] =	stream.indirect.gather [hbm4b:s2+s8], $0x10, s11, s8, $0xb8;
	[tilespmem:$0x3B80] =	vst v63  }
0x45: {  	_ = 	snop  }
0x46: {  	[tilespmem:s14], [sflag:$0x1] =	stream.indirect.gather [hbm4b:s2+s8], $0x10, s13, s8, $0xb8;
	[tilespmem:$0x3B80] =	vst v63  }
0x47: {  	_ = 	snop  }
0x48: {  	[tilespmem:s16], [sflag:$0x1] =	stream.indirect.gather [hbm4b:s2+s8], $0x10, s15, s8, $0xb8;
	[tilespmem:$0x3B80] =	vst v63  }
0x49: {  	_ = 	snop  }
0x4a: {  	[tilespmem:s18], [sflag:$0x1] =	stream.indirect.gather [hbm4b:s2+s8], $0x10, s17, s8, $0xb8;
	[tilespmem:$0x3B80] =	vst v63  }
0x4b: {  	_ = 	snop  }
0x4c: {  	[tilespmem:s20], [sflag:$0x1] =	stream.indirect.gather [hbm4b:s2+s8], $0x10, s19, s8, $0xb8;
	[tilespmem:$0x3B80] =	vst v63  }
0x4d: {  	_ =	swait.ge [sflag:s21], $0x800  }
0x4e: {  	[sflag:s21] =	ssyncset.done $0x0  }
0x4f: {  	[sflag:s21] =	ssyncadd.s32 $0xFFFFF800  }
0x50: {  	_ =	swait.ge [sflag:s21], $0x800  }
0x51: {  	[sflag:s21] =	ssyncset.done $0x0  }
0x52: {  	[sflag:s21] =	ssyncadd.s32 $0xFFFFF800  }
0x53: {  	_ =	swait.ge [sflag:s21], $0x800  }
0x54: {  	[sflag:s21] =	ssyncset.done $0x0  }
0x55: {  	[sflag:s21] =	ssyncadd.s32 $0xFFFFF800  }
0x56: {  	_ =	swait.ge [sflag:s21], $0x800  }
0x57: {  	[sflag:s21] =	ssyncset.done $0x0  }
0x58: {  	[sflag:s21] =	ssyncadd.s32 $0xFFFFF800  }
0x59: {  	_ =	swait.ge [sflag:s21], $0x800  }
0x5a: {  	[sflag:s21] =	ssyncset.done $0x0  }
0x5b: {  	[sflag:s21] =	ssyncadd.s32 $0xFFFFF800  }
0x5c: {  	_ =	swait.ge [sflag:s21], $0x800  }
0x5d: {  	[sflag:s21] =	ssyncset.done $0x0  }
0x5e: {  	[sflag:s21] =	ssyncadd.s32 $0xFFFFF800  }
0x5f: {  	_ =	swait.ge [sflag:s21], $0x800  }
.Ltmp0:
0x60: {  	[sflag:s21] =	ssyncset.done $0x0;
	(pc) =	sbr.rel @p0 .LBB2_2-.Ltmp0, $4  }
0x61: {  	[sflag:s21] =	ssyncadd.s32 $0xFFFFF800  }
0x62: {  	[hbm4b:s23+s3] =	stream.linear.scatter [tilespmem:s9], [sflag:$0x2], $0x3800, $0x38;
	[tilespmem:$0x3B80] =	vst v63  }
0x63: {  	_ =	swait.ge [sflag:s7], $0x3800  }
0x64: {  	s26 =	smov.u32 s25;
	s23 =	sadd.s32 $0x700, s23;
	[sflag:s7] =	ssyncset.done $0x0  }
0x65: {  	s24 =	sadd.s32 s24, s6;
	[sflag:s7] =	ssyncadd.s32 $0xFFFFC800  }
0x66: {  	[tilespmem:s3], [sflag:$0x2] =	stream.linear.gather [hbm4b:s24+s3], $0x380, $0x38;
	[tilespmem:$0x3B80] =	vst v63  }
0x67: {  	_ =	swait.ge [sflag:s7], $0x380  }
0x68: {  	[sflag:s7] =	ssyncset.done $0x0  }
0x69: {  	[sflag:s7] =	ssyncadd.s32 $0xFFFFFC80  }
0x6a: {  	[tilespmem:s9], [sflag:$0x1] =	stream.indirect.gather [hbm4b:s2+s8], $0x10, s3, s8, $0xb8;
	[tilespmem:$0x3B80] =	vst v63  }
0x6b: {  	_ = 	snop  }
0x6c: {  	[tilespmem:s10], [sflag:$0x1] =	stream.indirect.gather [hbm4b:s2+s8], $0x10, s8, s8, $0xb8;
	[tilespmem:$0x3B80] =	vst v63  }
0x6d: {  	_ = 	snop  }
0x6e: {  	[tilespmem:s12], [sflag:$0x1] =	stream.indirect.gather [hbm4b:s2+s8], $0x10, s11, s8, $0xb8;
	[tilespmem:$0x3B80] =	vst v63  }
0x6f: {  	_ = 	snop  }
0x70: {  	[tilespmem:s14], [sflag:$0x1] =	stream.indirect.gather [hbm4b:s2+s8], $0x10, s13, s8, $0xb8;
	[tilespmem:$0x3B80] =	vst v63  }
0x71: {  	_ = 	snop  }
0x72: {  	[tilespmem:s16], [sflag:$0x1] =	stream.indirect.gather [hbm4b:s2+s8], $0x10, s15, s8, $0xb8;
	[tilespmem:$0x3B80] =	vst v63  }
0x73: {  	_ = 	snop  }
0x74: {  	[tilespmem:s18], [sflag:$0x1] =	stream.indirect.gather [hbm4b:s2+s8], $0x10, s17, s8, $0xb8;
	[tilespmem:$0x3B80] =	vst v63  }
0x75: {  	_ = 	snop  }
0x76: {  	[tilespmem:s20], [sflag:$0x1] =	stream.indirect.gather [hbm4b:s2+s8], $0x10, s19, s8, $0xb8;
	[tilespmem:$0x3B80] =	vst v63  }
0x77: {  	_ =	swait.ge [sflag:s21], $0x800  }
0x78: {  	[sflag:s21] =	ssyncset.done $0x0  }
0x79: {  	[sflag:s21] =	ssyncadd.s32 $0xFFFFF800  }
0x7a: {  	_ =	swait.ge [sflag:s21], $0x800  }
0x7b: {  	[sflag:s21] =	ssyncset.done $0x0  }
0x7c: {  	[sflag:s21] =	ssyncadd.s32 $0xFFFFF800  }
0x7d: {  	_ =	swait.ge [sflag:s21], $0x800  }
0x7e: {  	[sflag:s21] =	ssyncset.done $0x0  }
0x7f: {  	[sflag:s21] =	ssyncadd.s32 $0xFFFFF800  }
0x80: {  	_ =	swait.ge [sflag:s21], $0x800  }
0x81: {  	[sflag:s21] =	ssyncset.done $0x0  }
0x82: {  	[sflag:s21] =	ssyncadd.s32 $0xFFFFF800  }
0x83: {  	_ =	swait.ge [sflag:s21], $0x800  }
0x84: {  	[sflag:s21] =	ssyncset.done $0x0  }
0x85: {  	[sflag:s21] =	ssyncadd.s32 $0xFFFFF800  }
0x86: {  	_ =	swait.ge [sflag:s21], $0x800  }
0x87: {  	[sflag:s21] =	ssyncset.done $0x0  }
0x88: {  	[sflag:s21] =	ssyncadd.s32 $0xFFFFF800  }
0x89: {  	s22 =	sadd.s32 $0x1, s22;
	_ =	swait.ge [sflag:s21], $0x800  }
0x8a: {  	p0 =	sne.s32 s22, s4;
	[sflag:s21] =	ssyncset.done $0x0  }
.Ltmp1:
0x8b: {  	[sflag:s21] =	ssyncadd.s32 $0xFFFFF800;
	(pc) =	sbr.rel @p0 .LBB2_1-.Ltmp1, $4  }
0x8c: {  	[hbm4b:s23+s3] =	stream.linear.scatter [tilespmem:s9], [sflag:$0x2], $0x3800, $0x38;
	[tilespmem:$0x3B80] =	vst v63  }
0x8d: {  	_ =	swait.ge [sflag:s7], $0x3800  }
0x8e: {  	[sflag:s7] =	ssyncset.done $0x0  }
0x8f: {  	[sflag:s7] =	ssyncadd.s32 $0xFFFFC800  }
0x90: {  	_ =	sfence.sel $0x180000  }
0x91: {  	[bflag:$0x0] =	sbarrier.arrive $0xFFFF  }
0x92: {  	p0 =	sne.s32 s1, $0x0;
	_ =	strace $0x90000047  }
0x93: {  	s0 =	sadd.s32 @!p0 $0x100000, s0;
	[bflag:$0x2] =	sbarrier.arrive $0xFFFF  }
0x94: {  	[sflag:s0] =	ssyncadd.tile.s32 @!p0 $0x1;
	_ =	shalt  }
.Lfunc_end2:
_tile_overlayer_lowered:
.L_overlay_start_2:
0x95: {  	(tag) =	ssettag $0x2  }
0x96: {  	s0 =	rddreg [dreg:$0x0];
	s2 =	stileid.u32  }
0x97: {  	s1 =	rddreg [dreg:$0x1];
	p0 =	sne.s32 s2, $0x0  }
0x98: {  	s3 =	rddreg [dreg:$0x2];
	[bflag:$0x3] =	sbarrier.arrive $0xFFFF;
	s2 =	simm.s32 @!p0 $0x1C02  }
0x99: {  	[timem:s3], [sflag:s2] =	dma.local @!p0 [hbm:s0], s1  }
0x9a: {  	s0 =	simm.s32 @!p0 $0x2  }
0x9b: {  	_ =	swait.ge @!p0 [sflag:s0], s1  }
0x9c: {  	s1 =	ssub.s32 @!p0 $0x0, s1;
	[sflag:s0] =	ssyncset.done @!p0 $0x0  }
0x9d: {  	[sflag:s0] =	ssyncadd.s32 @!p0 s1  }
0x9e: {  	[bflag:$0x3] =	sbarrier.arrive $0xFFFF  }
0x9f: {  	_ =	shalt  }

// kernel: kernel.8.cloned.1.call-start
scs
__scs_entry_jumppad:
0x0: {  	(pc) =	sbr.rel $0x88, $3  }
0x1: {  	(tag) =	ssettag $0x0;
	lr =	simm.s32 $0x1  }
0x2: {  	[smem:$0x3F96] =	sst lr;
	_ =	strace $0xD0000000  }
0x3: {  	_ = 	snop  }
0x4: {  	_ = 	snop  }
0x5: {  	_ = 	snop  }
0x6: {  	_ = 	snop  }
0x7: {  	_ = 	snop  }
__scs_overlays_trampoline_lowered:
0x8: {  	[smem:$0x3FA5] =	sst s0  }
0x9: {  	[smem:$0x3FA6] =	sst s1  }
0xa: {  	[smem:$0x3FA7] =	sst s2  }
0xb: {  	[smem:$0x3FA8] =	sst s3  }
0xc: {  	[smem:$0x3FA9] =	sst s4  }
0xd: {  	[smem:$0x3FAA] =	sst s5  }
0xe: {  	[smem:$0x3FAB] =	sst s6  }
0xf: {  	[smem:$0x3FAC] =	sst s7  }
0x10: {  	[smem:$0x3FAD] =	sst s8  }
0x11: {  	[smem:$0x3FAE] =	sst s9;
	s0 =	simm.s32 @!p0 $0x0  }
0x12: {  	s1 =	sld [smem:$0x3F94];
	s0 =	simm.s32 @p0 $0x1  }
0x13: {  	[smem:$0x3FAF] =	sst s0;
	s0 =	simm.s32 @!p1 $0x0  }
0x14: {  	s2 =	sld [smem:$0x3F93];
	s0 =	simm.s32 @p1 $0x1  }
0x15: {  	[smem:$0x3FB0] =	sst s0;
	s0 =	simm.s32 @!p2 $0x0  }
0x16: {  	s3 =	sld [smem:$0x3FDB];
	s0 =	simm.s32 @p2 $0x1  }
0x17: {  	s4 =	simm.s32 $0x1BF5;
	[smem:$0x3FB2] =	sst s0  }
0x18: {  	s0 =	sld [smem:$0x3F95];
	_ =	swait.ge [sflag:s4], $0x0  }
0x19: {  	s7 =	sld [smem:$0x3F96]  }
0x1a: {  	s8 =	sadd.s32 $0xFFFFE003, lr  }
0x1b: {  	s9 =	sadd.s32 $0xFFFFFEF7, lr;
	s5 =	simm.s32 $0xFFFFFFFF;
	p2 =	slt.u32 s8, $0xFFFFF086  }
0x1c: {  	p1 =	slt.u32 s9, $0xF7A;
	s5 =	simm.s32 @!p2 $0x0  }
0x1d: {  	s5 =	simm.s32 @p1 $0x1;
	p0 =	seq.s32 s7, s2  }
0x1e: {  	s7 =	smul.u32 @!p0 $0xF7A, s2;
	p2 =	seq.s32 @!p0 s5, $0x0  }
0x1f: {  	s9 =	smul.u32 $0xF7A, s1;
	s8 =	simm.s32 @!p0 $0x1BF5;
	p2 =	por !p2, p0  }
0x20: {  	[sflag:s8] =	ssyncset.s32 @!p0 $0xFFFFF086;
	s6 =	sadd.s32 @!p0 s3, s7;
	s7 =	simm.s32 @!p0 $0x108  }
0x21: {  	s3 =	sadd.s32 s3, s9;
	s6 =	sadd.s32 @!p0 $0x88, s6;
	s7 =	simm.s32 @p2 $0x1082  }
0x22: {  	[simem:s7], [sflag:s8] =	dma.local @!p0 [hbm:s6], $0xF7A  }
0x23: {  	s9 =	sor.u32 $0xD0000000, s2;
	s6 =	simm.s32 $0x108;
	_ =	swait.ge @!p0 [sflag:s8], $0x0  }
0x24: {  	s3 =	sadd.s32 $0x88, s3;
	s6 =	simm.s32 @!p1 $0x1082;
	[sflag:s4] =	ssyncset.s32 $0xFFFFF086  }
0x25: {  	[simem:s6], [sflag:s4] =	dma.local [hbm:s3], $0xF7A  }
0x26: {  	[smem:$0x3F96] =	sst s1;
	(tag) =	ssettag s2;
	_ =	strace s9  }
0x27: {  	s1 =	sld [smem:$0x3FA6]  }
0x28: {  	s2 =	sld [smem:$0x3FA7]  }
0x29: {  	s4 =	sld [smem:$0x3FA9]  }
0x2a: {  	p0 =	seq.s32 s5, $0x0;
	s5 =	sld [smem:$0x3FAA]  }
0x2b: {  	s6 =	sld [smem:$0x3FAB]  }
0x2c: {  	s7 =	sld [smem:$0x3FAC]  }
0x2d: {  	s3 =	simm.s32 $0x108;
	s8 =	sld [smem:$0x3FAD]  }
0x2e: {  	s3 =	simm.s32 @!p0 $0x1082;
	s9 =	sld [smem:$0x3FAE]  }
0x2f: {  	lr =	sadd.s32 s0, s3;
	s0 =	sld [smem:$0x3FA5]  }
0x30: {  	s3 =	sld [smem:$0x3FA8]  }
0x31: {  	[smem:$0x3FB1] =	sst s10  }
0x32: {  	s10 =	sld [smem:$0x3FAF];
	_ =	sdelay $0x3  }
0x33: {  	p0 =	seq.s32 s10, $0x1;
	s10 =	sld [smem:$0x3FB1];
	_ =	sdelay $0x3  }
0x34: {  	[smem:$0x3FB1] =	sst s10  }
0x35: {  	s10 =	sld [smem:$0x3FB0];
	_ =	sdelay $0x3  }
0x36: {  	p1 =	seq.s32 s10, $0x1;
	s10 =	sld [smem:$0x3FB1];
	_ =	sdelay $0x3  }
0x37: {  	[smem:$0x3FB1] =	sst s10  }
0x38: {  	s10 =	sld [smem:$0x3FB2]  }
0x39: {  	_ = 	snop;
	(pc) =	sbr.ind lr, $3  }
0x3a: {  	_ = 	snop  }
0x3b: {  	_ = 	snop  }
0x3c: {  	p2 =	seq.s32 s10, $0x1;
	s10 =	sld [smem:$0x3FB1]  }
0x3d: {  	_ =	shalt  }
0x3e: {  	_ =	shalt  }
0x3f: {  	_ =	shalt  }
0x40: {  	_ =	shalt  }
0x41: {  	_ =	shalt  }
0x42: {  	_ =	shalt  }
0x43: {  	_ =	shalt  }
0x44: {  	_ =	shalt  }
0x45: {  	_ =	shalt  }
0x46: {  	_ =	shalt  }
0x47: {  	_ =	shalt  }
0x48: {  	_ =	shalt  }
0x49: {  	_ =	shalt  }
0x4a: {  	_ =	shalt  }
0x4b: {  	_ =	shalt  }
0x4c: {  	_ =	shalt  }
0x4d: {  	_ =	shalt  }
0x4e: {  	_ =	shalt  }
0x4f: {  	_ =	shalt  }
0x50: {  	_ =	shalt  }
0x51: {  	_ =	shalt  }
0x52: {  	_ =	shalt  }
0x53: {  	_ =	shalt  }
0x54: {  	_ =	shalt  }
0x55: {  	_ =	shalt  }
0x56: {  	_ =	shalt  }
0x57: {  	_ =	shalt  }
0x58: {  	_ =	shalt  }
0x59: {  	_ =	shalt  }
0x5a: {  	_ =	shalt  }
0x5b: {  	_ =	shalt  }
0x5c: {  	_ =	shalt  }
0x5d: {  	_ =	shalt  }
0x5e: {  	_ =	shalt  }
0x5f: {  	_ =	shalt  }
0x60: {  	_ =	shalt  }
0x61: {  	_ =	shalt  }
0x62: {  	_ =	shalt  }
0x63: {  	_ =	shalt  }
0x64: {  	_ =	shalt  }
0x65: {  	_ =	shalt  }
0x66: {  	_ =	shalt  }
0x67: {  	_ =	shalt  }
0x68: {  	_ =	shalt  }
0x69: {  	_ =	shalt  }
0x6a: {  	_ =	shalt  }
0x6b: {  	_ =	shalt  }
0x6c: {  	_ =	shalt  }
0x6d: {  	_ =	shalt  }
0x6e: {  	_ =	shalt  }
0x6f: {  	_ =	shalt  }
0x70: {  	_ =	shalt  }
0x71: {  	_ =	shalt  }
0x72: {  	_ =	shalt  }
0x73: {  	_ =	shalt  }
0x74: {  	_ =	shalt  }
0x75: {  	_ =	shalt  }
0x76: {  	_ =	shalt  }
0x77: {  	_ =	shalt  }
0x78: {  	_ =	shalt  }
0x79: {  	_ =	shalt  }
0x7a: {  	_ =	shalt  }
0x7b: {  	_ =	shalt  }
0x7c: {  	_ =	shalt  }
0x7d: {  	_ =	shalt  }
0x7e: {  	_ =	shalt  }
0x7f: {  	_ =	shalt  }
0x80: {  	_ =	shalt  }
0x81: {  	_ =	shalt  }
0x82: {  	_ =	shalt  }
0x83: {  	_ =	shalt  }
0x84: {  	_ =	shalt  }
0x85: {  	_ =	shalt  }
0x86: {  	_ =	shalt  }
0x87: {  	_ =	shalt  }
.Lfunc_end0:
.L_simem_size_0:
called_computation_lowered:
.L_overlay_start_0:
0x88: {  	s2 =	sld [smem:$0x3FD9]  }
0x89: {  	s3 =	sld [smem:$0x3FFE];
	_ =	sdelay $0x1  }
0x8a: {  	s1 =	srdreg.scid  }
0x8b: {  	s0 =	sand.u32 $0x1, s1  }
0x8c: {  	s17 =	sshll.u32 s0, $0xA;
	s2 =	sadd.s32 s3, s2  }
0x8d: {  	s2 =	sadd.s32 s2, s17  }
0x8e: {  	[smem:$0x3FBD] =	sst s2  }
0x8f: {  	_ = 	snop  }
0x90: {  	s18 =	sld [smem:$0x3FD0];
	(tm) =	ssettm $0x1  }
0x91: {  	s19 =	sld [smem:$0x3FFB];
	_ =	sdelay $0x3  }
0x92: {  	_ =	strace s19  }
0x93: {  	s2 =	sld [smem:$0x3FFC];
	_ =	sdelay $0x3  }
0x94: {  	_ =	strace s2  }
0x95: {  	s2 =	sld [smem:$0x3FFD];
	_ =	sdelay $0x3  }
0x96: {  	_ =	strace s2  }
0x97: {  	_ =	strace $0x8FFFFFFF  }
0x98: {  	s20 =	sld [smem:$0x3FDB];
	_ =	sdelay $0x1  }
0x99: {  	s4 =	simm.s32 $_scs_section_size  }
0x9a: {  	s5 =	simm.s32 $_size__tile_overlayer_lowered;
	s6 =	simm.s32 $_tile_overlayer_lowered  }
0x9b: {  	s7 =	simm.s32 $0x1BFF;
	s21 =	sshll.u32 s6, $0x1;
	s4 =	sadd.s32 s4, s20  }
0x9c: {  	s22 =	simm.s32 $0x0;
	s5 =	sshll.u32 s5, $0x1;
	s6 =	sadd.s32 s21, s4  }
0x9d: {  	[timem:s22], [sflag:s7] =	dma.local [hbm:s6], s5  }
0x9e: {  	_ =	swait.ge [sflag:s7], s5  }
0x9f: {  	s5 =	ssub.s32 $0x0, s5;
	[sflag:s7] =	ssyncset.done $0x0  }
0xa0: {  	[sflag:s7] =	ssyncadd.s32 s5;
	_ =	sdelay $0x1  }
0xa1: {  	s23 =	simm.s32 $0x1B8B  }
0xa2: {  	_ =	swait.ge [sflag:s23], $0x1  }
0xa3: {  	[sflag:s23] =	ssyncset.done $0x0  }
0xa4: {  	[sflag:s23] =	ssyncadd.s32 $0xFFFFFFFF  }
0xa5: {  	s5 =	sld [smem:$0x0]  }
0xa6: {  	s6 =	sand.u32 $0xFFFFFFFE, s1  }
0xa7: {  	p0 =	sne.s32 s1, s6  }
0xa8: {  	s6 =	sshll.u32 @p0 s6, $0xE  }
0xa9: {  	s6 =	sadd.s32 @p0 $0x11B8D, s6;
	s7 =	sshll.u32 @p0 s5, $0x11  }
0xaa: {  	s6 =	sor.u32 @p0 s7, s6  }
0xab: {  	[sflag:s6] =	ssyncadd.remote.s32 @p0 $0x1;
	_ =	sdelay $0x1  }
0xac: {  	s6 =	simm.s32 @p0 $0x1B8D  }
0xad: {  	_ =	swait.eq @p0 [sflag:s6], $0x1  }
0xae: {  	[sflag:s6] =	ssyncadd.s32 @p0 $0xFFFFFFFF  }
0xaf: {  	s7 =	sshll.u32 @!p0 s1, $0xE  }
0xb0: {  	s7 =	sor.u32 @!p0 $0x4000, s7;
	s6 =	simm.s32 @!p0 $0x1B8D  }
0xb1: {  	s5 =	sshll.u32 @!p0 s5, $0x11;
	s7 =	sadd.s32 @!p0 $0x11B8D, s7;
	_ =	swait.eq @!p0 [sflag:s6], $0x1  }
0xb2: {  	s5 =	sor.u32 @!p0 s5, s7;
	[sflag:s6] =	ssyncadd.s32 @!p0 $0xFFFFFFFF  }
0xb3: {  	s25 =	simm.s32 $0x1B8E;
	s24 =	sld [smem:$0x3FFE];
	[sflag:s5] =	ssyncadd.remote.s32 @!p0 $0x1  }
0xb4: {  	s26 =	simm.s32 $execute0_lowered;
	[smem:$0x3FD2] =	sst s25  }
0xb5: {  	s6 =	sshll.u32 s26, $0x1;
	_ =	strace $0x80000049;
	[dreg:$0x1] =	wrdreg $0xFFFFFFFF  }
0xb6: {  	s28 =	simm.s32 $_size_execute0_lowered;
	s4 =	sadd.s32 s4, s6;
	[dreg:$0x0] =	wrdreg $0x0  }
0xb7: {  	s6 =	sshll.u32 s28, $0x1;
	[dreg:$0x2] =	wrdreg s4  }
0xb8: {  	[dreg:$0x3] =	wrdreg s6  }
0xb9: {  	[dreg:$0x4] =	wrdreg $0xC0  }
0xba: {  	_ =	task [dreg:s22], $0x5FFFF  }
0xbb: {  	[dreg:$0x1] =	wrdreg $0xFFFFFFFF  }
0xbc: {  	[dreg:$0x0] =	wrdreg $0x60  }
0xbd: {  	[dreg:$0x2] =	wrdreg s18  }
0xbe: {  	[dreg:$0x3] =	wrdreg s24  }
0xbf: {  	[dreg:$0x4] =	wrdreg $0x9  }
0xc0: {  	_ =	task.clear_ibuf [dreg:s22], $0x5FFFF;
	_ =	strace $0x90000049  }
0xc1: {  	s29 =	simm.s32 $0x9;
	_ =	strace $0x8000004B  }
0xc2: {  	_ =	swait.ge [sflag:s29], $0x1  }
0xc3: {  	[sflag:s29] =	ssyncadd.s32 $0xFFFFFFFF  }
0xc4: {  	_ =	strace $0x9000004B  }
0xc5: {  	_ =	sfence  }
0xc6: {  	s30 =	sld [smem:$0x0];
	_ =	sdelay $0x2  }
0xc7: {  	s31 =	sshll.u32 s1, $0xD;
	s1 =	sshrl.u32 s1, $0x2  }
0xc8: {  	s4 =	sand.u32 $0x4000, s31;
	s1 =	sadd.s32 s1, s30  }
0xc9: {  	s0 =	sor.u32 s4, s0;
	s1 =	sshll.u32 s1, $0x11  }
0xca: {  	s0 =	sor.u32 s1, s0  }
0xcb: {  	s0 =	sadd.s32 $0x8F2B, s0  }
0xcc: {  	[sflag:s0] =	ssyncadd.remote.s32 $0x1  }
0xcd: {  	_ =	sfence.sel $0xFFFF  }
0xce: {  	[dreg:$0x0] =	wrdreg $0xFFFFFFFF;
	(pc) =	sbr.abs _section_cstart, $3  }
0xcf: {  	[dreg:$0x1] =	wrdreg $0xFFFFFFFF  }
0xd0: {  	_ =	task.clear_ibuf [dreg:s22], $0x2FFFF;
	_ =	strace $0x9FFFFFFF  }
0xd1: {  	(tm) =	ssettm $0x7FFFFFFF  }
tec
execute0_lowered:
.L_overlay_start_1:
0x0: {  	(tag) =	ssettag $0x1  }
0x1: {  	s2 =	rddreg [dreg:$0x0]  }
0x2: {  	s4 =	rddreg [dreg:$0x1]  }
0x3: {  	s0 =	rddreg [dreg:$0x2]  }
0x4: {  	s1 =	stileid.u32;
	s6 =	srdreg.scid;
	s3 =	simm.s32 $0x0  }
0x5: {  	s11 =	simm.s32 $0x100;
	s12 =	simm.s32 $0x1380;
	s13 =	simm.s32 $0x180  }
0x6: {  	s14 =	simm.s32 $0x1B80;
	s15 =	simm.s32 $0x200;
	s16 =	simm.s32 $0x2380  }
0x7: {  	s17 =	simm.s32 $0x280;
	s18 =	simm.s32 $0x2B80;
	s19 =	simm.s32 $0x300  }
0x8: {  	s20 =	simm.s32 $0x3380;
	s21 =	simm.s32 $0x1;
	s5 =	smul.u32 $0xC40, s1  }
0x9: {  	s22 =	simm.s32 $0x0;
	s7 =	smul.u32 $0xC400, s1;
	s6 =	sand.u32 $0x1, s6  }
0xa: {  	[smem:$0x7FF] =	sst s3;
	s8 =	ssub.s32 $0x2, s6;
	s9 =	smul.u32 $0x6200, s6  }
0xb: {  	_ =	strace $0x8000004A;
	s6 =	smul.u32 $0x620, s6;
	s10 =	sshrl.u32 s8, $0x1  }
0xc: {  	s5 =	sadd.s32 s5, s4;
	s7 =	sadd.s32 s7, s4;
	s31 =	ssub.s32 s8, s10  }
0xd: {  	s7 =	sadd.s32 s9, s7;
	s6 =	sadd.s32 s6, s5;
	s8 =	simm.s32 $0x80  }
0xe: {  	s9 =	simm.s32 $0x380;
	s10 =	simm.s32 $0xB80;
	s4 =	smax.u32 s31, $0x1  }
0xf: {  	s5 =	sadd.s32 $0x267A00, s7;
	s6 =	sadd.s32 $0x25B600, s6;
	s7 =	simm.s32 $0x2  }
.LBB2_1:
0x10: {  	s23 =	sadd.s32 $0x0, s6  }
0x11: {  	[tilespmem:s3], [sflag:$0x2] =	stream.linear.gather [hbm4b:s23+s3], $0x380, $0x38;
	[tilespmem:$0x3B80] =	vst v63  }
0x12: {  	_ =	swait.ge [sflag:s7], $0x380  }
0x13: {  	[sflag:s7] =	ssyncset.done $0x0  }
0x14: {  	[sflag:s7] =	ssyncadd.s32 $0xFFFFFC80  }
0x15: {  	[tilespmem:s9], [sflag:$0x1] =	stream.indirect.gather [hbm4b:s2+s8], $0x10, s3, s8, $0xb8;
	[tilespmem:$0x3B80] =	vst v63  }
0x16: {  	_ = 	snop  }
0x17: {  	[tilespmem:s10], [sflag:$0x1] =	stream.indirect.gather [hbm4b:s2+s8], $0x10, s8, s8, $0xb8;
	[tilespmem:$0x3B80] =	vst v63  }
0x18: {  	_ = 	snop  }
0x19: {  	[tilespmem:s12], [sflag:$0x1] =	stream.indirect.gather [hbm4b:s2+s8], $0x10, s11, s8, $0xb8;
	[tilespmem:$0x3B80] =	vst v63  }
0x1a: {  	_ = 	snop  }
0x1b: {  	[tilespmem:s14], [sflag:$0x1] =	stream.indirect.gather [hbm4b:s2+s8], $0x10, s13, s8, $0xb8;
	[tilespmem:$0x3B80] =	vst v63  }
0x1c: {  	_ = 	snop  }
0x1d: {  	[tilespmem:s16], [sflag:$0x1] =	stream.indirect.gather [hbm4b:s2+s8], $0x10, s15, s8, $0xb8;
	[tilespmem:$0x3B80] =	vst v63  }
0x1e: {  	_ = 	snop  }
0x1f: {  	[tilespmem:s18], [sflag:$0x1] =	stream.indirect.gather [hbm4b:s2+s8], $0x10, s17, s8, $0xb8;
	[tilespmem:$0x3B80] =	vst v63  }
0x20: {  	_ = 	snop  }
0x21: {  	[tilespmem:s20], [sflag:$0x1] =	stream.indirect.gather [hbm4b:s2+s8], $0x10, s19, s8, $0xb8;
	[tilespmem:$0x3B80] =	vst v63  }
0x22: {  	_ =	swait.ge [sflag:s21], $0x800  }
0x23: {  	[sflag:s21] =	ssyncset.done $0x0  }
0x24: {  	[sflag:s21] =	ssyncadd.s32 $0xFFFFF800  }
0x25: {  	_ =	swait.ge [sflag:s21], $0x800  }
0x26: {  	[sflag:s21] =	ssyncset.done $0x0  }
0x27: {  	[sflag:s21] =	ssyncadd.s32 $0xFFFFF800  }
0x28: {  	_ =	swait.ge [sflag:s21], $0x800  }
0x29: {  	[sflag:s21] =	ssyncset.done $0x0  }
0x2a: {  	[sflag:s21] =	ssyncadd.s32 $0xFFFFF800  }
0x2b: {  	_ =	swait.ge [sflag:s21], $0x800  }
0x2c: {  	[sflag:s21] =	ssyncset.done $0x0  }
0x2d: {  	[sflag:s21] =	ssyncadd.s32 $0xFFFFF800  }
0x2e: {  	_ =	swait.ge [sflag:s21], $0x800  }
0x2f: {  	[sflag:s21] =	ssyncset.done $0x0  }
0x30: {  	[sflag:s21] =	ssyncadd.s32 $0xFFFFF800  }
0x31: {  	_ =	swait.ge [sflag:s21], $0x800  }
0x32: {  	[sflag:s21] =	ssyncset.done $0x0  }
0x33: {  	[sflag:s21] =	ssyncadd.s32 $0xFFFFF800  }
0x34: {  	_ =	swait.ge [sflag:s21], $0x800  }
0x35: {  	[sflag:s21] =	ssyncset.done $0x0  }
0x36: {  	[sflag:s21] =	ssyncadd.s32 $0xFFFFF800  }
0x37: {  	[hbm4b:s5+s3] =	stream.linear.scatter [tilespmem:s9], [sflag:$0x2], $0x3800, $0x38;
	[tilespmem:$0x3B80] =	vst v63  }
0x38: {  	s24 =	simm.s32 $0x70;
	_ =	swait.ge [sflag:s7], $0x3800  }
0x39: {  	s26 =	simm.s32 $0xE0;
	s23 =	sadd.s32 $0x700, s5;
	[sflag:s7] =	ssyncset.done $0x0  }
.LBB2_2:
0x3a: {  	s28 =	sadd.s32 s24, s6  }
0x3b: {  	[sflag:s7] =	ssyncadd.s32 $0xFFFFC800;
	s24 =	smov.u32 s26;
	s25 =	sadd.s32 $0x70, s26  }
0x3c: {  	[tilespmem:s3], [sflag:$0x2] =	stream.linear.gather [hbm4b:s28+s3], $0x380, $0x38;
	[tilespmem:$0x3B80] =	vst v63  }
0x3d: {  	p0 =	sne.s32 s26, $0x5B0;
	_ =	swait.ge [sflag:s7], $0x380  }
0x3e: {  	[sflag:s7] =	ssyncset.done $0x0  }
0x3f: {  	[sflag:s7] =	ssyncadd.s32 $0xFFFFFC80  }
0x40: {  	[tilespmem:s9], [sflag:$0x1] =	stream.indirect.gather [hbm4b:s2+s8], $0x10, s3, s8, $0xb8;
	[tilespmem:$0x3B80] =	vst v63  }
0x41: {  	_ = 	snop  }
0x42: {  	[tilespmem:s10], [sflag:$0x1] =	stream.indirect.gather [hbm4b:s2+s8], $0x10, s8, s8, $0xb8;
	[tilespmem:$0x3B80] =	vst v63  }
0x43: {  	_ = 	snop  }
0x44: {  	[tilespmem:s12], [sflag:$0x1] =	stream.indirect.gather [hbm4b:s2+s8], $0x10, s11, s8, $0xb8;
	[tilespmem:$0x3B80] =	vst v63  }
0x45: {  	_ = 	snop  }
0x46: {  	[tilespmem:s14], [sflag:$0x1] =	stream.indirect.gather [hbm4b:s2+s8], $0x10, s13, s8, $0xb8;
	[tilespmem:$0x3B80] =	vst v63  }
0x47: {  	_ = 	snop  }
0x48: {  	[tilespmem:s16], [sflag:$0x1] =	stream.indirect.gather [hbm4b:s2+s8], $0x10, s15, s8, $0xb8;
	[tilespmem:$0x3B80] =	vst v63  }
0x49: {  	_ = 	snop  }
0x4a: {  	[tilespmem:s18], [sflag:$0x1] =	stream.indirect.gather [hbm4b:s2+s8], $0x10, s17, s8, $0xb8;
	[tilespmem:$0x3B80] =	vst v63  }
0x4b: {  	_ = 	snop  }
0x4c: {  	[tilespmem:s20], [sflag:$0x1] =	stream.indirect.gather [hbm4b:s2+s8], $0x10, s19, s8, $0xb8;
	[tilespmem:$0x3B80] =	vst v63  }
0x4d: {  	_ =	swait.ge [sflag:s21], $0x800  }
0x4e: {  	[sflag:s21] =	ssyncset.done $0x0  }
0x4f: {  	[sflag:s21] =	ssyncadd.s32 $0xFFFFF800  }
0x50: {  	_ =	swait.ge [sflag:s21], $0x800  }
0x51: {  	[sflag:s21] =	ssyncset.done $0x0  }
0x52: {  	[sflag:s21] =	ssyncadd.s32 $0xFFFFF800  }
0x53: {  	_ =	swait.ge [sflag:s21], $0x800  }
0x54: {  	[sflag:s21] =	ssyncset.done $0x0  }
0x55: {  	[sflag:s21] =	ssyncadd.s32 $0xFFFFF800  }
0x56: {  	_ =	swait.ge [sflag:s21], $0x800  }
0x57: {  	[sflag:s21] =	ssyncset.done $0x0  }
0x58: {  	[sflag:s21] =	ssyncadd.s32 $0xFFFFF800  }
0x59: {  	_ =	swait.ge [sflag:s21], $0x800  }
0x5a: {  	[sflag:s21] =	ssyncset.done $0x0  }
0x5b: {  	[sflag:s21] =	ssyncadd.s32 $0xFFFFF800  }
0x5c: {  	_ =	swait.ge [sflag:s21], $0x800  }
0x5d: {  	[sflag:s21] =	ssyncset.done $0x0  }
0x5e: {  	[sflag:s21] =	ssyncadd.s32 $0xFFFFF800  }
0x5f: {  	_ =	swait.ge [sflag:s21], $0x800  }
.Ltmp0:
0x60: {  	[sflag:s21] =	ssyncset.done $0x0;
	(pc) =	sbr.rel @p0 .LBB2_2-.Ltmp0, $4  }
0x61: {  	[sflag:s21] =	ssyncadd.s32 $0xFFFFF800  }
0x62: {  	[hbm4b:s23+s3] =	stream.linear.scatter [tilespmem:s9], [sflag:$0x2], $0x3800, $0x38;
	[tilespmem:$0x3B80] =	vst v63  }
0x63: {  	_ =	swait.ge [sflag:s7], $0x3800  }
0x64: {  	s26 =	smov.u32 s25;
	s23 =	sadd.s32 $0x700, s23;
	[sflag:s7] =	ssyncset.done $0x0  }
0x65: {  	s24 =	sadd.s32 s24, s6;
	[sflag:s7] =	ssyncadd.s32 $0xFFFFC800  }
0x66: {  	[tilespmem:s3], [sflag:$0x2] =	stream.linear.gather [hbm4b:s24+s3], $0x380, $0x38;
	[tilespmem:$0x3B80] =	vst v63  }
0x67: {  	_ =	swait.ge [sflag:s7], $0x380  }
0x68: {  	[sflag:s7] =	ssyncset.done $0x0  }
0x69: {  	[sflag:s7] =	ssyncadd.s32 $0xFFFFFC80  }
0x6a: {  	[tilespmem:s9], [sflag:$0x1] =	stream.indirect.gather [hbm4b:s2+s8], $0x10, s3, s8, $0xb8;
	[tilespmem:$0x3B80] =	vst v63  }
0x6b: {  	_ = 	snop  }
0x6c: {  	[tilespmem:s10], [sflag:$0x1] =	stream.indirect.gather [hbm4b:s2+s8], $0x10, s8, s8, $0xb8;
	[tilespmem:$0x3B80] =	vst v63  }
0x6d: {  	_ = 	snop  }
0x6e: {  	[tilespmem:s12], [sflag:$0x1] =	stream.indirect.gather [hbm4b:s2+s8], $0x10, s11, s8, $0xb8;
	[tilespmem:$0x3B80] =	vst v63  }
0x6f: {  	_ = 	snop  }
0x70: {  	[tilespmem:s14], [sflag:$0x1] =	stream.indirect.gather [hbm4b:s2+s8], $0x10, s13, s8, $0xb8;
	[tilespmem:$0x3B80] =	vst v63  }
0x71: {  	_ = 	snop  }
0x72: {  	[tilespmem:s16], [sflag:$0x1] =	stream.indirect.gather [hbm4b:s2+s8], $0x10, s15, s8, $0xb8;
	[tilespmem:$0x3B80] =	vst v63  }
0x73: {  	_ = 	snop  }
0x74: {  	[tilespmem:s18], [sflag:$0x1] =	stream.indirect.gather [hbm4b:s2+s8], $0x10, s17, s8, $0xb8;
	[tilespmem:$0x3B80] =	vst v63  }
0x75: {  	_ = 	snop  }
0x76: {  	[tilespmem:s20], [sflag:$0x1] =	stream.indirect.gather [hbm4b:s2+s8], $0x10, s19, s8, $0xb8;
	[tilespmem:$0x3B80] =	vst v63  }
0x77: {  	_ =	swait.ge [sflag:s21], $0x800  }
0x78: {  	[sflag:s21] =	ssyncset.done $0x0  }
0x79: {  	[sflag:s21] =	ssyncadd.s32 $0xFFFFF800  }
0x7a: {  	_ =	swait.ge [sflag:s21], $0x800  }
0x7b: {  	[sflag:s21] =	ssyncset.done $0x0  }
0x7c: {  	[sflag:s21] =	ssyncadd.s32 $0xFFFFF800  }
0x7d: {  	_ =	swait.ge [sflag:s21], $0x800  }
0x7e: {  	[sflag:s21] =	ssyncset.done $0x0  }
0x7f: {  	[sflag:s21] =	ssyncadd.s32 $0xFFFFF800  }
0x80: {  	_ =	swait.ge [sflag:s21], $0x800  }
0x81: {  	[sflag:s21] =	ssyncset.done $0x0  }
0x82: {  	[sflag:s21] =	ssyncadd.s32 $0xFFFFF800  }
0x83: {  	_ =	swait.ge [sflag:s21], $0x800  }
0x84: {  	[sflag:s21] =	ssyncset.done $0x0  }
0x85: {  	[sflag:s21] =	ssyncadd.s32 $0xFFFFF800  }
0x86: {  	_ =	swait.ge [sflag:s21], $0x800  }
0x87: {  	[sflag:s21] =	ssyncset.done $0x0  }
0x88: {  	[sflag:s21] =	ssyncadd.s32 $0xFFFFF800  }
0x89: {  	s22 =	sadd.s32 $0x1, s22;
	_ =	swait.ge [sflag:s21], $0x800  }
0x8a: {  	p0 =	sne.s32 s22, s4;
	[sflag:s21] =	ssyncset.done $0x0  }
.Ltmp1:
0x8b: {  	[sflag:s21] =	ssyncadd.s32 $0xFFFFF800;
	(pc) =	sbr.rel @p0 .LBB2_1-.Ltmp1, $4  }
0x8c: {  	[hbm4b:s23+s3] =	stream.linear.scatter [tilespmem:s9], [sflag:$0x2], $0x3800, $0x38;
	[tilespmem:$0x3B80] =	vst v63  }
0x8d: {  	_ =	swait.ge [sflag:s7], $0x3800  }
0x8e: {  	[sflag:s7] =	ssyncset.done $0x0  }
0x8f: {  	[sflag:s7] =	ssyncadd.s32 $0xFFFFC800  }
0x90: {  	_ =	sfence.sel $0x180000  }
0x91: {  	[bflag:$0x0] =	sbarrier.arrive $0xFFFF  }
0x92: {  	p0 =	sne.s32 s1, $0x0;
	_ =	strace $0x9000004A  }
0x93: {  	s0 =	sadd.s32 @!p0 $0x100000, s0;
	[bflag:$0x2] =	sbarrier.arrive $0xFFFF  }
0x94: {  	[sflag:s0] =	ssyncadd.tile.s32 @!p0 $0x1;
	_ =	shalt  }
.Lfunc_end2:
_tile_overlayer_lowered:
.L_overlay_start_2:
0x95: {  	(tag) =	ssettag $0x2  }
0x96: {  	s0 =	rddreg [dreg:$0x0];
	s2 =	stileid.u32  }
0x97: {  	s1 =	rddreg [dreg:$0x1];
	p0 =	sne.s32 s2, $0x0  }
0x98: {  	s3 =	rddreg [dreg:$0x2];
	[bflag:$0x3] =	sbarrier.arrive $0xFFFF;
	s2 =	simm.s32 @!p0 $0x1C02  }
0x99: {  	[timem:s3], [sflag:s2] =	dma.local @!p0 [hbm:s0], s1  }
0x9a: {  	s0 =	simm.s32 @!p0 $0x2  }
0x9b: {  	_ =	swait.ge @!p0 [sflag:s0], s1  }
0x9c: {  	s1 =	ssub.s32 @!p0 $0x0, s1;
	[sflag:s0] =	ssyncset.done @!p0 $0x0  }
0x9d: {  	[sflag:s0] =	ssyncadd.s32 @!p0 s1  }
0x9e: {  	[bflag:$0x3] =	sbarrier.arrive $0xFFFF  }
0x9f: {  	_ =	shalt  }

</sc_bundles>
